<compile_context>
chip_gen: v7x
topology: tpu7x:2x2x1
jax: 0.10.2.dev20260603
libtpu: 0.0.44.dev20260713+nightly
codegen_flags: <defaults>
</compile_context>

<pallas_src>
import functools

import jax
import jax.numpy as jnp
from jax import lax
from jax.experimental import pallas as pl
from jax.experimental.pallas import tpu as pltpu
from jax.experimental.pallas import tpu_sc as plsc

_BATCH = 16384
_NW = 32
_CHUNK = _BATCH // _NW
_L = 16
_MAX_CHARGE = 6


def _sc_body(mz_hbm, ch_hbm, sl_hbm, ic_hbm, out_hbm, mz_v, ch_v, out_v,
             sl_v, ic_v, sem):
    wid = lax.axis_index("s") * 2 + lax.axis_index("c")
    base = wid * _CHUNK
    c1 = pltpu.async_copy(mz_hbm.at[pl.ds(base, _CHUNK)], mz_v, sem)
    c2 = pltpu.async_copy(ch_hbm.at[pl.ds(base, _CHUNK)], ch_v, sem)
    c3 = pltpu.async_copy(sl_hbm, sl_v, sem)
    c4 = pltpu.async_copy(ic_hbm, ic_v, sem)
    c1.wait()
    c2.wait()
    c3.wait()
    c4.wait()

    for i in range(_CHUNK // _L):
        sl_ix = pl.ds(i * _L, _L)
        x = mz_v[sl_ix]
        c = ch_v[sl_ix]
        c = jnp.minimum(jnp.maximum(c, 0), _MAX_CHARGE)
        slope = plsc.load_gather(sl_v, [c])
        inter = plsc.load_gather(ic_v, [c])
        h = x * jnp.float32(0.5)
        yi = jnp.int32(0x5F3759DF) - (plsc.bitcast(x, jnp.int32) >> 1)
        y = plsc.bitcast(yi, jnp.float32)
        y = y * (jnp.float32(1.5) - h * y * y)
        y = y * (jnp.float32(1.5) - h * y * y)
        y = y * (jnp.float32(1.5) - h * y * y)
        s = x * y
        out_v[sl_ix] = slope * s + inter

    pltpu.sync_copy(out_v, out_hbm.at[pl.ds(base, _CHUNK)])


@jax.jit
def _sc_call(mz, charge_i32, slopes16, intercepts16):
    mesh = plsc.VectorSubcoreMesh(core_axis_name="c", subcore_axis_name="s")
    return pl.kernel(
        _sc_body,
        out_type=jax.ShapeDtypeStruct((_BATCH,), jnp.float32),
        mesh=mesh,
        compiler_params=pltpu.CompilerParams(needs_layout_passes=False),
        scratch_types=[
            pltpu.VMEM((_CHUNK,), jnp.float32),
            pltpu.VMEM((_CHUNK,), jnp.int32),
            pltpu.VMEM((_CHUNK,), jnp.float32),
            pltpu.VMEM((_L,), jnp.float32),
            pltpu.VMEM((_L,), jnp.float32),
            pltpu.SemaphoreType.DMA,
        ],
    )(mz, charge_i32, slopes16, intercepts16)


def kernel(mz, charge, slopes, intercepts):
    mz = mz.reshape(-1)
    charge_i32 = charge.reshape(-1).astype(jnp.int32)
    slopes16 = jnp.zeros((_L,), jnp.float32).at[:slopes.shape[0]].set(slopes)
    intercepts16 = (
        jnp.zeros((_L,), jnp.float32).at[:intercepts.shape[0]].set(intercepts)
    )
    ccs = _sc_call(mz, charge_i32, slopes16, intercepts16)
    return ccs.reshape(-1, 1)

# --- scband reference (transcript-rebuilt; emitter-appended) ---
"""Pipeline reference for scband-square-root-projection-layer-29171417874526 (READ-ONLY COPY).

The authoritative reference and input builder live on the scoring server;
editing this copy changes nothing except your own understanding.
"""

import jax, jax.numpy as jnp
import numpy as np

MAX_CHARGE = 6
DEFAULT_SLOPES = [0.0, 8.71, 12.96, 15.61, 17.2, 19.78, 21.28]
DEFAULT_INTERCEPTS = [0.0, 173.4, 134.5, 125.9, 141.1, 91.4, 91.4]


def setup_inputs(seed: int = 0) -> dict:
    key = jax.random.key(seed)
    k_mz, k_charge = jax.random.split(key)
    batch = 16384
    mz = jax.random.uniform(k_mz, (batch,), dtype=jnp.float32)
    charge = jax.random.randint(k_charge, (batch,), 0, 7, dtype=jnp.int64)
    slopes = jnp.asarray(DEFAULT_SLOPES[:MAX_CHARGE + 1], dtype=jnp.float32)
    intercepts = jnp.asarray(DEFAULT_INTERCEPTS[:MAX_CHARGE + 1], dtype=jnp.float32)
    return {"mz": mz, "charge": charge, "slopes": slopes, "intercepts": intercepts}


def reference(mz, charge, slopes, intercepts):
    mz2 = mz.reshape(-1, 1)
    ch = jnp.clip(charge.reshape(-1).astype(jnp.int32), 0, MAX_CHARGE)
    slope = jnp.take(slopes, ch, axis=0).reshape(-1, 1)
    intercept = jnp.take(intercepts, ch, axis=0).reshape(-1, 1)
    sqrt_mz = jnp.sqrt(mz2)
    ccs = slope * sqrt_mz + intercept
    return ccs

if __name__ == "__main__":
    import jax
    _d = setup_inputs()
    print(jax.jit(kernel)(*tuple(_d.values())))

</pallas_src>

<mosaic_0001>
#map = affine_map<(d0, d1) -> (0)>
module attributes {stable_mosaic.version = 14 : i64} {
  func.func @_sc_body(%arg0: i32, %arg1: i32, %arg2: memref<16384xf32, #tpu.memory_space<hbm>>, %arg3: memref<16384xi32, #tpu.memory_space<hbm>>, %arg4: memref<16xf32, #tpu.memory_space<hbm>>, %arg5: memref<16xf32, #tpu.memory_space<hbm>>, %arg6: memref<16384xf32, #tpu.memory_space<hbm>>, %arg7: memref<512xf32, #tpu.memory_space<vmem>>, %arg8: memref<512xi32, #tpu.memory_space<vmem>>, %arg9: memref<512xf32, #tpu.memory_space<vmem>>, %arg10: memref<16xf32, #tpu.memory_space<vmem>>, %arg11: memref<16xf32, #tpu.memory_space<vmem>>, %arg12: memref<!tpu.dma_semaphore, #tpu.memory_space<semaphore_mem>>) attributes {dimension_semantics = [#tpu.dimension_semantics<core_parallel>, #tpu.dimension_semantics<subcore_parallel>], iteration_bounds = array<i64: 2, 16>, scalar_prefetch = 0 : i64, scratch_operands = 6 : i64, tpu.core_type = #tpu.core_type<sc_vector_subcore>, window_params = [{transform_indices = #map}, {transform_indices = #map}, {transform_indices = #map}, {transform_indices = #map}, {transform_indices = #map}]} {
    %mul3A = arith.constant 2 : i32
    %mul3A_0 = arith.muli %arg1, %mul3A : i32
    %add3A = arith.addi %mul3A_0, %arg0 : i32
    %mul3A_1 = arith.constant 512 : i32
    %mul3A_2 = arith.muli %add3A, %mul3A_1 : i32
    %dma_start3A = tpu.memref_slice %arg2[%mul3A_2] : memref<16384xf32, #tpu.memory_space<hbm>> -> memref<512xf32, #tpu.memory_space<hbm>>
    %dma_start3A_3 = tpu.memref_slice %arg2[%mul3A_2] : memref<16384xf32, #tpu.memory_space<hbm>> -> memref<512xf32, #tpu.memory_space<hbm>>
    tpu.enqueue_dma source(%dma_start3A_3 : memref<512xf32, #tpu.memory_space<hbm>>) target(%arg7 : memref<512xf32, #tpu.memory_space<vmem>>) target_semaphore(%arg12 : memref<!tpu.dma_semaphore, #tpu.memory_space<semaphore_mem>>)
    %dma_start3A_4 = tpu.memref_slice %arg3[%mul3A_2] : memref<16384xi32, #tpu.memory_space<hbm>> -> memref<512xi32, #tpu.memory_space<hbm>>
    %dma_start3A_5 = tpu.memref_slice %arg3[%mul3A_2] : memref<16384xi32, #tpu.memory_space<hbm>> -> memref<512xi32, #tpu.memory_space<hbm>>
    tpu.enqueue_dma source(%dma_start3A_5 : memref<512xi32, #tpu.memory_space<hbm>>) target(%arg8 : memref<512xi32, #tpu.memory_space<vmem>>) target_semaphore(%arg12 : memref<!tpu.dma_semaphore, #tpu.memory_space<semaphore_mem>>)
    tpu.enqueue_dma source(%arg4 : memref<16xf32, #tpu.memory_space<hbm>>) target(%arg10 : memref<16xf32, #tpu.memory_space<vmem>>) target_semaphore(%arg12 : memref<!tpu.dma_semaphore, #tpu.memory_space<semaphore_mem>>)
    tpu.enqueue_dma source(%arg5 : memref<16xf32, #tpu.memory_space<hbm>>) target(%arg11 : memref<16xf32, #tpu.memory_space<vmem>>) target_semaphore(%arg12 : memref<!tpu.dma_semaphore, #tpu.memory_space<semaphore_mem>>)
    %dma_wait3A = tpu.memref_slice %arg2[%mul3A_2] : memref<16384xf32, #tpu.memory_space<hbm>> -> memref<512xf32, #tpu.memory_space<hbm>>
    %dma_wait3A_6 = tpu.memref_slice %arg2[%mul3A_2] : memref<16384xf32, #tpu.memory_space<hbm>> -> memref<512xf32, #tpu.memory_space<hbm>>
    tpu.wait_dma2 semaphore(%arg12 : memref<!tpu.dma_semaphore, #tpu.memory_space<semaphore_mem>>) src(%dma_wait3A_6 : memref<512xf32, #tpu.memory_space<hbm>>) dst(%arg7 : memref<512xf32, #tpu.memory_space<vmem>>)
    %dma_wait3A_7 = tpu.memref_slice %arg3[%mul3A_2] : memref<16384xi32, #tpu.memory_space<hbm>> -> memref<512xi32, #tpu.memory_space<hbm>>
    %dma_wait3A_8 = tpu.memref_slice %arg3[%mul3A_2] : memref<16384xi32, #tpu.memory_space<hbm>> -> memref<512xi32, #tpu.memory_space<hbm>>
    tpu.wait_dma2 semaphore(%arg12 : memref<!tpu.dma_semaphore, #tpu.memory_space<semaphore_mem>>) src(%dma_wait3A_8 : memref<512xi32, #tpu.memory_space<hbm>>) dst(%arg8 : memref<512xi32, #tpu.memory_space<vmem>>)
    tpu.wait_dma2 semaphore(%arg12 : memref<!tpu.dma_semaphore, #tpu.memory_space<semaphore_mem>>) src(%arg4 : memref<16xf32, #tpu.memory_space<hbm>>) dst(%arg10 : memref<16xf32, #tpu.memory_space<vmem>>)
    tpu.wait_dma2 semaphore(%arg12 : memref<!tpu.dma_semaphore, #tpu.memory_space<semaphore_mem>>) src(%arg5 : memref<16xf32, #tpu.memory_space<hbm>>) dst(%arg11 : memref<16xf32, #tpu.memory_space<vmem>>)
    %get3A = arith.constant 0 : index
    %get3A_9 = tpu.vector_load %arg7[%get3A] {strides = array<i32>} : memref<512xf32, #tpu.memory_space<vmem>>, vector<16xf32>,
    %get3A_10 = arith.constant 0 : index
    %get3A_11 = tpu.vector_load %arg8[%get3A_10] {strides = array<i32>} : memref<512xi32, #tpu.memory_space<vmem>>, vector<16xi32>,
    %max3A = arith.constant 0 : i32
    %max3A_12 = vector.broadcast %max3A : i32 to vector<16xi32>
    %max3A_13 = arith.maxsi %get3A_11, %max3A_12 : vector<16xi32>
    %min3A = arith.constant 6 : i32
    %min3A_14 = vector.broadcast %min3A : i32 to vector<16xi32>
    %min3A_15 = arith.minsi %max3A_13, %min3A_14 : vector<16xi32>
    %gather3A = tpu.vector_load_idx %arg10[%min3A_15] : memref<16xf32, #tpu.memory_space<vmem>>[vector<16xi32>], vector<16xf32>,
    %gather3A_16 = tpu.vector_load_idx %arg11[%min3A_15] : memref<16xf32, #tpu.memory_space<vmem>>[vector<16xi32>], vector<16xf32>,
    %mul3A_17 = arith.constant 5.000000e-01 : f32
    %mul3A_18 = vector.broadcast %mul3A_17 : f32 to vector<16xf32>
    %mul3A_19 = arith.mulf %get3A_9, %mul3A_18 : vector<16xf32>
    %bitcast3A = vector.bitcast %get3A_9 : vector<16xf32> to vector<16xi32>
    %shift_right_arithmetic3A = arith.constant 1 : i32
    %shift_right_arithmetic3A_20 = vector.broadcast %shift_right_arithmetic3A : i32 to vector<16xi32>
    %shift_right_arithmetic3A_21 = arith.shrsi %bitcast3A, %shift_right_arithmetic3A_20 : vector<16xi32>
    %sub3A = arith.constant 1597463007 : i32
    %sub3A_22 = vector.broadcast %sub3A : i32 to vector<16xi32>
    %sub3A_23 = arith.subi %sub3A_22, %shift_right_arithmetic3A_21 : vector<16xi32>
    %bitcast3A_24 = vector.bitcast %sub3A_23 : vector<16xi32> to vector<16xf32>
    %mul3A_25 = arith.mulf %mul3A_19, %bitcast3A_24 : vector<16xf32>
    %mul3A_26 = arith.mulf %mul3A_25, %bitcast3A_24 : vector<16xf32>
    %sub3A_27 = arith.constant 1.500000e+00 : f32
    %sub3A_28 = vector.broadcast %sub3A_27 : f32 to vector<16xf32>
    %sub3A_29 = arith.subf %sub3A_28, %mul3A_26 : vector<16xf32>
    %mul3A_30 = arith.mulf %bitcast3A_24, %sub3A_29 : vector<16xf32>
    %mul3A_31 = arith.mulf %mul3A_19, %mul3A_30 : vector<16xf32>
    %mul3A_32 = arith.mulf %mul3A_31, %mul3A_30 : vector<16xf32>
    %sub3A_33 = arith.constant 1.500000e+00 : f32
    %sub3A_34 = vector.broadcast %sub3A_33 : f32 to vector<16xf32>
    %sub3A_35 = arith.subf %sub3A_34, %mul3A_32 : vector<16xf32>
    %mul3A_36 = arith.mulf %mul3A_30, %sub3A_35 : vector<16xf32>
    %mul3A_37 = arith.mulf %mul3A_19, %mul3A_36 : vector<16xf32>
    %mul3A_38 = arith.mulf %mul3A_37, %mul3A_36 : vector<16xf32>
    %sub3A_39 = arith.constant 1.500000e+00 : f32
    %sub3A_40 = vector.broadcast %sub3A_39 : f32 to vector<16xf32>
    %sub3A_41 = arith.subf %sub3A_40, %mul3A_38 : vector<16xf32>
    %mul3A_42 = arith.mulf %mul3A_36, %sub3A_41 : vector<16xf32>
    %mul3A_43 = arith.mulf %get3A_9, %mul3A_42 : vector<16xf32>
    %mul3A_44 = arith.mulf %gather3A, %mul3A_43 : vector<16xf32>
    %add3A_45 = arith.addf %mul3A_44, %gather3A_16 : vector<16xf32>
    %swap3A = arith.constant 0 : index
    %swap3A_46 = tpu.vector_load %arg9[%swap3A] {strides = array<i32>} : memref<512xf32, #tpu.memory_space<vmem>>, vector<16xf32>,
    tpu.vector_store %arg9[%swap3A], %add3A_45 {strides = array<i32>} : memref<512xf32, #tpu.memory_space<vmem>>, vector<16xf32>,
    %get3A_47 = arith.constant 16 : index
    %get3A_48 = tpu.vector_load %arg7[%get3A_47] {strides = array<i32>} : memref<512xf32, #tpu.memory_space<vmem>>, vector<16xf32>,
    %get3A_49 = arith.constant 16 : index
    %get3A_50 = tpu.vector_load %arg8[%get3A_49] {strides = array<i32>} : memref<512xi32, #tpu.memory_space<vmem>>, vector<16xi32>,
    %max3A_51 = arith.constant 0 : i32
    %max3A_52 = vector.broadcast %max3A_51 : i32 to vector<16xi32>
    %max3A_53 = arith.maxsi %get3A_50, %max3A_52 : vector<16xi32>
    %min3A_54 = arith.constant 6 : i32
    %min3A_55 = vector.broadcast %min3A_54 : i32 to vector<16xi32>
    %min3A_56 = arith.minsi %max3A_53, %min3A_55 : vector<16xi32>
    %gather3A_57 = tpu.vector_load_idx %arg10[%min3A_56] : memref<16xf32, #tpu.memory_space<vmem>>[vector<16xi32>], vector<16xf32>,
    %gather3A_58 = tpu.vector_load_idx %arg11[%min3A_56] : memref<16xf32, #tpu.memory_space<vmem>>[vector<16xi32>], vector<16xf32>,
    %mul3A_59 = arith.constant 5.000000e-01 : f32
    %mul3A_60 = vector.broadcast %mul3A_59 : f32 to vector<16xf32>
    %mul3A_61 = arith.mulf %get3A_48, %mul3A_60 : vector<16xf32>
    %bitcast3A_62 = vector.bitcast %get3A_48 : vector<16xf32> to vector<16xi32>
    %shift_right_arithmetic3A_63 = arith.constant 1 : i32
    %shift_right_arithmetic3A_64 = vector.broadcast %shift_right_arithmetic3A_63 : i32 to vector<16xi32>
    %shift_right_arithmetic3A_65 = arith.shrsi %bitcast3A_62, %shift_right_arithmetic3A_64 : vector<16xi32>
    %sub3A_66 = arith.constant 1597463007 : i32
    %sub3A_67 = vector.broadcast %sub3A_66 : i32 to vector<16xi32>
    %sub3A_68 = arith.subi %sub3A_67, %shift_right_arithmetic3A_65 : vector<16xi32>
    %bitcast3A_69 = vector.bitcast %sub3A_68 : vector<16xi32> to vector<16xf32>
    %mul3A_70 = arith.mulf %mul3A_61, %bitcast3A_69 : vector<16xf32>
    %mul3A_71 = arith.mulf %mul3A_70, %bitcast3A_69 : vector<16xf32>
    %sub3A_72 = arith.constant 1.500000e+00 : f32
    %sub3A_73 = vector.broadcast %sub3A_72 : f32 to vector<16xf32>
    %sub3A_74 = arith.subf %sub3A_73, %mul3A_71 : vector<16xf32>
    %mul3A_75 = arith.mulf %bitcast3A_69, %sub3A_74 : vector<16xf32>
    %mul3A_76 = arith.mulf %mul3A_61, %mul3A_75 : vector<16xf32>
    %mul3A_77 = arith.mulf %mul3A_76, %mul3A_75 : vector<16xf32>
    %sub3A_78 = arith.constant 1.500000e+00 : f32
    %sub3A_79 = vector.broadcast %sub3A_78 : f32 to vector<16xf32>
    %sub3A_80 = arith.subf %sub3A_79, %mul3A_77 : vector<16xf32>
    %mul3A_81 = arith.mulf %mul3A_75, %sub3A_80 : vector<16xf32>
    %mul3A_82 = arith.mulf %mul3A_61, %mul3A_81 : vector<16xf32>
    %mul3A_83 = arith.mulf %mul3A_82, %mul3A_81 : vector<16xf32>
    %sub3A_84 = arith.constant 1.500000e+00 : f32
    %sub3A_85 = vector.broadcast %sub3A_84 : f32 to vector<16xf32>
    %sub3A_86 = arith.subf %sub3A_85, %mul3A_83 : vector<16xf32>
    %mul3A_87 = arith.mulf %mul3A_81, %sub3A_86 : vector<16xf32>
    %mul3A_88 = arith.mulf %get3A_48, %mul3A_87 : vector<16xf32>
    %mul3A_89 = arith.mulf %gather3A_57, %mul3A_88 : vector<16xf32>
    %add3A_90 = arith.addf %mul3A_89, %gather3A_58 : vector<16xf32>
    %swap3A_91 = arith.constant 16 : index
    %swap3A_92 = tpu.vector_load %arg9[%swap3A_91] {strides = array<i32>} : memref<512xf32, #tpu.memory_space<vmem>>, vector<16xf32>,
    tpu.vector_store %arg9[%swap3A_91], %add3A_90 {strides = array<i32>} : memref<512xf32, #tpu.memory_space<vmem>>, vector<16xf32>,
    %get3A_93 = arith.constant 32 : index
    %get3A_94 = tpu.vector_load %arg7[%get3A_93] {strides = array<i32>} : memref<512xf32, #tpu.memory_space<vmem>>, vector<16xf32>,
    %get3A_95 = arith.constant 32 : index
    %get3A_96 = tpu.vector_load %arg8[%get3A_95] {strides = array<i32>} : memref<512xi32, #tpu.memory_space<vmem>>, vector<16xi32>,
    %max3A_97 = arith.constant 0 : i32
    %max3A_98 = vector.broadcast %max3A_97 : i32 to vector<16xi32>
    %max3A_99 = arith.maxsi %get3A_96, %max3A_98 : vector<16xi32>
    %min3A_100 = arith.constant 6 : i32
    %min3A_101 = vector.broadcast %min3A_100 : i32 to vector<16xi32>
    %min3A_102 = arith.minsi %max3A_99, %min3A_101 : vector<16xi32>
    %gather3A_103 = tpu.vector_load_idx %arg10[%min3A_102] : memref<16xf32, #tpu.memory_space<vmem>>[vector<16xi32>], vector<16xf32>,
    %gather3A_104 = tpu.vector_load_idx %arg11[%min3A_102] : memref<16xf32, #tpu.memory_space<vmem>>[vector<16xi32>], vector<16xf32>,
    %mul3A_105 = arith.constant 5.000000e-01 : f32
    %mul3A_106 = vector.broadcast %mul3A_105 : f32 to vector<16xf32>
    %mul3A_107 = arith.mulf %get3A_94, %mul3A_106 : vector<16xf32>
    %bitcast3A_108 = vector.bitcast %get3A_94 : vector<16xf32> to vector<16xi32>
    %shift_right_arithmetic3A_109 = arith.constant 1 : i32
    %shift_right_arithmetic3A_110 = vector.broadcast %shift_right_arithmetic3A_109 : i32 to vector<16xi32>
    %shift_right_arithmetic3A_111 = arith.shrsi %bitcast3A_108, %shift_right_arithmetic3A_110 : vector<16xi32>
    %sub3A_112 = arith.constant 1597463007 : i32
    %sub3A_113 = vector.broadcast %sub3A_112 : i32 to vector<16xi32>
    %sub3A_114 = arith.subi %sub3A_113, %shift_right_arithmetic3A_111 : vector<16xi32>
    %bitcast3A_115 = vector.bitcast %sub3A_114 : vector<16xi32> to vector<16xf32>
    %mul3A_116 = arith.mulf %mul3A_107, %bitcast3A_115 : vector<16xf32>
    %mul3A_117 = arith.mulf %mul3A_116, %bitcast3A_115 : vector<16xf32>
    %sub3A_118 = arith.constant 1.500000e+00 : f32
    %sub3A_119 = vector.broadcast %sub3A_118 : f32 to vector<16xf32>
    %sub3A_120 = arith.subf %sub3A_119, %mul3A_117 : vector<16xf32>
    %mul3A_121 = arith.mulf %bitcast3A_115, %sub3A_120 : vector<16xf32>
    %mul3A_122 = arith.mulf %mul3A_107, %mul3A_121 : vector<16xf32>
    %mul3A_123 = arith.mulf %mul3A_122, %mul3A_121 : vector<16xf32>
    %sub3A_124 = arith.constant 1.500000e+00 : f32
    %sub3A_125 = vector.broadcast %sub3A_124 : f32 to vector<16xf32>
    %sub3A_126 = arith.subf %sub3A_125, %mul3A_123 : vector<16xf32>
    %mul3A_127 = arith.mulf %mul3A_121, %sub3A_126 : vector<16xf32>
    %mul3A_128 = arith.mulf %mul3A_107, %mul3A_127 : vector<16xf32>
    %mul3A_129 = arith.mulf %mul3A_128, %mul3A_127 : vector<16xf32>
    %sub3A_130 = arith.constant 1.500000e+00 : f32
    %sub3A_131 = vector.broadcast %sub3A_130 : f32 to vector<16xf32>
    %sub3A_132 = arith.subf %sub3A_131, %mul3A_129 : vector<16xf32>
    %mul3A_133 = arith.mulf %mul3A_127, %sub3A_132 : vector<16xf32>
    %mul3A_134 = arith.mulf %get3A_94, %mul3A_133 : vector<16xf32>
    %mul3A_135 = arith.mulf %gather3A_103, %mul3A_134 : vector<16xf32>
    %add3A_136 = arith.addf %mul3A_135, %gather3A_104 : vector<16xf32>
    %swap3A_137 = arith.constant 32 : index
    %swap3A_138 = tpu.vector_load %arg9[%swap3A_137] {strides = array<i32>} : memref<512xf32, #tpu.memory_space<vmem>>, vector<16xf32>,
    tpu.vector_store %arg9[%swap3A_137], %add3A_136 {strides = array<i32>} : memref<512xf32, #tpu.memory_space<vmem>>, vector<16xf32>,
    %get3A_139 = arith.constant 48 : index
    %get3A_140 = tpu.vector_load %arg7[%get3A_139] {strides = array<i32>} : memref<512xf32, #tpu.memory_space<vmem>>, vector<16xf32>,
    %get3A_141 = arith.constant 48 : index
    %get3A_142 = tpu.vector_load %arg8[%get3A_141] {strides = array<i32>} : memref<512xi32, #tpu.memory_space<vmem>>, vector<16xi32>,
    %max3A_143 = arith.constant 0 : i32
    %max3A_144 = vector.broadcast %max3A_143 : i32 to vector<16xi32>
    %max3A_145 = arith.maxsi %get3A_142, %max3A_144 : vector<16xi32>
    %min3A_146 = arith.constant 6 : i32
    %min3A_147 = vector.broadcast %min3A_146 : i32 to vector<16xi32>
    %min3A_148 = arith.minsi %max3A_145, %min3A_147 : vector<16xi32>
    %gather3A_149 = tpu.vector_load_idx %arg10[%min3A_148] : memref<16xf32, #tpu.memory_space<vmem>>[vector<16xi32>], vector<16xf32>,
    %gather3A_150 = tpu.vector_load_idx %arg11[%min3A_148] : memref<16xf32, #tpu.memory_space<vmem>>[vector<16xi32>], vector<16xf32>,
    %mul3A_151 = arith.constant 5.000000e-01 : f32
    %mul3A_152 = vector.broadcast %mul3A_151 : f32 to vector<16xf32>
    %mul3A_153 = arith.mulf %get3A_140, %mul3A_152 : vector<16xf32>
    %bitcast3A_154 = vector.bitcast %get3A_140 : vector<16xf32> to vector<16xi32>
    %shift_right_arithmetic3A_155 = arith.constant 1 : i32
    %shift_right_arithmetic3A_156 = vector.broadcast %shift_right_arithmetic3A_155 : i32 to vector<16xi32>
    %shift_right_arithmetic3A_157 = arith.shrsi %bitcast3A_154, %shift_right_arithmetic3A_156 : vector<16xi32>
    %sub3A_158 = arith.constant 1597463007 : i32
    %sub3A_159 = vector.broadcast %sub3A_158 : i32 to vector<16xi32>
    %sub3A_160 = arith.subi %sub3A_159, %shift_right_arithmetic3A_157 : vector<16xi32>
    %bitcast3A_161 = vector.bitcast %sub3A_160 : vector<16xi32> to vector<16xf32>
    %mul3A_162 = arith.mulf %mul3A_153, %bitcast3A_161 : vector<16xf32>
    %mul3A_163 = arith.mulf %mul3A_162, %bitcast3A_161 : vector<16xf32>
    %sub3A_164 = arith.constant 1.500000e+00 : f32
    %sub3A_165 = vector.broadcast %sub3A_164 : f32 to vector<16xf32>
    %sub3A_166 = arith.subf %sub3A_165, %mul3A_163 : vector<16xf32>
    %mul3A_167 = arith.mulf %bitcast3A_161, %sub3A_166 : vector<16xf32>
    %mul3A_168 = arith.mulf %mul3A_153, %mul3A_167 : vector<16xf32>
    %mul3A_169 = arith.mulf %mul3A_168, %mul3A_167 : vector<16xf32>
    %sub3A_170 = arith.constant 1.500000e+00 : f32
    %sub3A_171 = vector.broadcast %sub3A_170 : f32 to vector<16xf32>
    %sub3A_172 = arith.subf %sub3A_171, %mul3A_169 : vector<16xf32>
    %mul3A_173 = arith.mulf %mul3A_167, %sub3A_172 : vector<16xf32>
    %mul3A_174 = arith.mulf %mul3A_153, %mul3A_173 : vector<16xf32>
    %mul3A_175 = arith.mulf %mul3A_174, %mul3A_173 : vector<16xf32>
    %sub3A_176 = arith.constant 1.500000e+00 : f32
    %sub3A_177 = vector.broadcast %sub3A_176 : f32 to vector<16xf32>
    %sub3A_178 = arith.subf %sub3A_177, %mul3A_175 : vector<16xf32>
    %mul3A_179 = arith.mulf %mul3A_173, %sub3A_178 : vector<16xf32>
    %mul3A_180 = arith.mulf %get3A_140, %mul3A_179 : vector<16xf32>
    %mul3A_181 = arith.mulf %gather3A_149, %mul3A_180 : vector<16xf32>
    %add3A_182 = arith.addf %mul3A_181, %gather3A_150 : vector<16xf32>
    %swap3A_183 = arith.constant 48 : index
    %swap3A_184 = tpu.vector_load %arg9[%swap3A_183] {strides = array<i32>} : memref<512xf32, #tpu.memory_space<vmem>>, vector<16xf32>,
    tpu.vector_store %arg9[%swap3A_183], %add3A_182 {strides = array<i32>} : memref<512xf32, #tpu.memory_space<vmem>>, vector<16xf32>,
    %get3A_185 = arith.constant 64 : index
    %get3A_186 = tpu.vector_load %arg7[%get3A_185] {strides = array<i32>} : memref<512xf32, #tpu.memory_space<vmem>>, vector<16xf32>,
    %get3A_187 = arith.constant 64 : index
    %get3A_188 = tpu.vector_load %arg8[%get3A_187] {strides = array<i32>} : memref<512xi32, #tpu.memory_space<vmem>>, vector<16xi32>,
    %max3A_189 = arith.constant 0 : i32
    %max3A_190 = vector.broadcast %max3A_189 : i32 to vector<16xi32>
    %max3A_191 = arith.maxsi %get3A_188, %max3A_190 : vector<16xi32>
    %min3A_192 = arith.constant 6 : i32
    %min3A_193 = vector.broadcast %min3A_192 : i32 to vector<16xi32>
    %min3A_194 = arith.minsi %max3A_191, %min3A_193 : vector<16xi32>
    %gather3A_195 = tpu.vector_load_idx %arg10[%min3A_194] : memref<16xf32, #tpu.memory_space<vmem>>[vector<16xi32>], vector<16xf32>,
    %gather3A_196 = tpu.vector_load_idx %arg11[%min3A_194] : memref<16xf32, #tpu.memory_space<vmem>>[vector<16xi32>], vector<16xf32>,
    %mul3A_197 = arith.constant 5.000000e-01 : f32
    %mul3A_198 = vector.broadcast %mul3A_197 : f32 to vector<16xf32>
    %mul3A_199 = arith.mulf %get3A_186, %mul3A_198 : vector<16xf32>
    %bitcast3A_200 = vector.bitcast %get3A_186 : vector<16xf32> to vector<16xi32>
    %shift_right_arithmetic3A_201 = arith.constant 1 : i32
    %shift_right_arithmetic3A_202 = vector.broadcast %shift_right_arithmetic3A_201 : i32 to vector<16xi32>
    %shift_right_arithmetic3A_203 = arith.shrsi %bitcast3A_200, %shift_right_arithmetic3A_202 : vector<16xi32>
    %sub3A_204 = arith.constant 1597463007 : i32
    %sub3A_205 = vector.broadcast %sub3A_204 : i32 to vector<16xi32>
    %sub3A_206 = arith.subi %sub3A_205, %shift_right_arithmetic3A_203 : vector<16xi32>
    %bitcast3A_207 = vector.bitcast %sub3A_206 : vector<16xi32> to vector<16xf32>
    %mul3A_208 = arith.mulf %mul3A_199, %bitcast3A_207 : vector<16xf32>
    %mul3A_209 = arith.mulf %mul3A_208, %bitcast3A_207 : vector<16xf32>
    %sub3A_210 = arith.constant 1.500000e+00 : f32
    %sub3A_211 = vector.broadcast %sub3A_210 : f32 to vector<16xf32>
    %sub3A_212 = arith.subf %sub3A_211, %mul3A_209 : vector<16xf32>
    %mul3A_213 = arith.mulf %bitcast3A_207, %sub3A_212 : vector<16xf32>
    %mul3A_214 = arith.mulf %mul3A_199, %mul3A_213 : vector<16xf32>
    %mul3A_215 = arith.mulf %mul3A_214, %mul3A_213 : vector<16xf32>
    %sub3A_216 = arith.constant 1.500000e+00 : f32
    %sub3A_217 = vector.broadcast %sub3A_216 : f32 to vector<16xf32>
    %sub3A_218 = arith.subf %sub3A_217, %mul3A_215 : vector<16xf32>
    %mul3A_219 = arith.mulf %mul3A_213, %sub3A_218 : vector<16xf32>
    %mul3A_220 = arith.mulf %mul3A_199, %mul3A_219 : vector<16xf32>
    %mul3A_221 = arith.mulf %mul3A_220, %mul3A_219 : vector<16xf32>
    %sub3A_222 = arith.constant 1.500000e+00 : f32
    %sub3A_223 = vector.broadcast %sub3A_222 : f32 to vector<16xf32>
    %sub3A_224 = arith.subf %sub3A_223, %mul3A_221 : vector<16xf32>
    %mul3A_225 = arith.mulf %mul3A_219, %sub3A_224 : vector<16xf32>
    %mul3A_226 = arith.mulf %get3A_186, %mul3A_225 : vector<16xf32>
    %mul3A_227 = arith.mulf %gather3A_195, %mul3A_226 : vector<16xf32>
    %add3A_228 = arith.addf %mul3A_227, %gather3A_196 : vector<16xf32>
    %swap3A_229 = arith.constant 64 : index
    %swap3A_230 = tpu.vector_load %arg9[%swap3A_229] {strides = array<i32>} : memref<512xf32, #tpu.memory_space<vmem>>, vector<16xf32>,
    tpu.vector_store %arg9[%swap3A_229], %add3A_228 {strides = array<i32>} : memref<512xf32, #tpu.memory_space<vmem>>, vector<16xf32>,
    %get3A_231 = arith.constant 80 : index
    %get3A_232 = tpu.vector_load %arg7[%get3A_231] {strides = array<i32>} : memref<512xf32, #tpu.memory_space<vmem>>, vector<16xf32>,
    %get3A_233 = arith.constant 80 : index
    %get3A_234 = tpu.vector_load %arg8[%get3A_233] {strides = array<i32>} : memref<512xi32, #tpu.memory_space<vmem>>, vector<16xi32>,
    %max3A_235 = arith.constant 0 : i32
    %max3A_236 = vector.broadcast %max3A_235 : i32 to vector<16xi32>
    %max3A_237 = arith.maxsi %get3A_234, %max3A_236 : vector<16xi32>
    %min3A_238 = arith.constant 6 : i32
    %min3A_239 = vector.broadcast %min3A_238 : i32 to vector<16xi32>
    %min3A_240 = arith.minsi %max3A_237, %min3A_239 : vector<16xi32>
    %gather3A_241 = tpu.vector_load_idx %arg10[%min3A_240] : memref<16xf32, #tpu.memory_space<vmem>>[vector<16xi32>], vector<16xf32>,
    %gather3A_242 = tpu.vector_load_idx %arg11[%min3A_240] : memref<16xf32, #tpu.memory_space<vmem>>[vector<16xi32>], vector<16xf32>,
    %mul3A_243 = arith.constant 5.000000e-01 : f32
    %mul3A_244 = vector.broadcast %mul3A_243 : f32 to vector<16xf32>
    %mul3A_245 = arith.mulf %get3A_232, %mul3A_244 : vector<16xf32>
    %bitcast3A_246 = vector.bitcast %get3A_232 : vector<16xf32> to vector<16xi32>
    %shift_right_arithmetic3A_247 = arith.constant 1 : i32
    %shift_right_arithmetic3A_248 = vector.broadcast %shift_right_arithmetic3A_247 : i32 to vector<16xi32>
    %shift_right_arithmetic3A_249 = arith.shrsi %bitcast3A_246, %shift_right_arithmetic3A_248 : vector<16xi32>
    %sub3A_250 = arith.constant 1597463007 : i32
    %sub3A_251 = vector.broadcast %sub3A_250 : i32 to vector<16xi32>
    %sub3A_252 = arith.subi %sub3A_251, %shift_right_arithmetic3A_249 : vector<16xi32>
    %bitcast3A_253 = vector.bitcast %sub3A_252 : vector<16xi32> to vector<16xf32>
    %mul3A_254 = arith.mulf %mul3A_245, %bitcast3A_253 : vector<16xf32>
    %mul3A_255 = arith.mulf %mul3A_254, %bitcast3A_253 : vector<16xf32>
    %sub3A_256 = arith.constant 1.500000e+00 : f32
    %sub3A_257 = vector.broadcast %sub3A_256 : f32 to vector<16xf32>
    %sub3A_258 = arith.subf %sub3A_257, %mul3A_255 : vector<16xf32>
    %mul3A_259 = arith.mulf %bitcast3A_253, %sub3A_258 : vector<16xf32>
    %mul3A_260 = arith.mulf %mul3A_245, %mul3A_259 : vector<16xf32>
    %mul3A_261 = arith.mulf %mul3A_260, %mul3A_259 : vector<16xf32>
    %sub3A_262 = arith.constant 1.500000e+00 : f32
    %sub3A_263 = vector.broadcast %sub3A_262 : f32 to vector<16xf32>
    %sub3A_264 = arith.subf %sub3A_263, %mul3A_261 : vector<16xf32>
    %mul3A_265 = arith.mulf %mul3A_259, %sub3A_264 : vector<16xf32>
    %mul3A_266 = arith.mulf %mul3A_245, %mul3A_265 : vector<16xf32>
    %mul3A_267 = arith.mulf %mul3A_266, %mul3A_265 : vector<16xf32>
    %sub3A_268 = arith.constant 1.500000e+00 : f32
    %sub3A_269 = vector.broadcast %sub3A_268 : f32 to vector<16xf32>
    %sub3A_270 = arith.subf %sub3A_269, %mul3A_267 : vector<16xf32>
    %mul3A_271 = arith.mulf %mul3A_265, %sub3A_270 : vector<16xf32>
    %mul3A_272 = arith.mulf %get3A_232, %mul3A_271 : vector<16xf32>
    %mul3A_273 = arith.mulf %gather3A_241, %mul3A_272 : vector<16xf32>
    %add3A_274 = arith.addf %mul3A_273, %gather3A_242 : vector<16xf32>
    %swap3A_275 = arith.constant 80 : index
    %swap3A_276 = tpu.vector_load %arg9[%swap3A_275] {strides = array<i32>} : memref<512xf32, #tpu.memory_space<vmem>>, vector<16xf32>,
    tpu.vector_store %arg9[%swap3A_275], %add3A_274 {strides = array<i32>} : memref<512xf32, #tpu.memory_space<vmem>>, vector<16xf32>,
    %get3A_277 = arith.constant 96 : index
    %get3A_278 = tpu.vector_load %arg7[%get3A_277] {strides = array<i32>} : memref<512xf32, #tpu.memory_space<vmem>>, vector<16xf32>,
    %get3A_279 = arith.constant 96 : index
    %get3A_280 = tpu.vector_load %arg8[%get3A_279] {strides = array<i32>} : memref<512xi32, #tpu.memory_space<vmem>>, vector<16xi32>,
    %max3A_281 = arith.constant 0 : i32
    %max3A_282 = vector.broadcast %max3A_281 : i32 to vector<16xi32>
    %max3A_283 = arith.maxsi %get3A_280, %max3A_282 : vector<16xi32>
    %min3A_284 = arith.constant 6 : i32
    %min3A_285 = vector.broadcast %min3A_284 : i32 to vector<16xi32>
    %min3A_286 = arith.minsi %max3A_283, %min3A_285 : vector<16xi32>
    %gather3A_287 = tpu.vector_load_idx %arg10[%min3A_286] : memref<16xf32, #tpu.memory_space<vmem>>[vector<16xi32>], vector<16xf32>,
    %gather3A_288 = tpu.vector_load_idx %arg11[%min3A_286] : memref<16xf32, #tpu.memory_space<vmem>>[vector<16xi32>], vector<16xf32>,
    %mul3A_289 = arith.constant 5.000000e-01 : f32
    %mul3A_290 = vector.broadcast %mul3A_289 : f32 to vector<16xf32>
    %mul3A_291 = arith.mulf %get3A_278, %mul3A_290 : vector<16xf32>
    %bitcast3A_292 = vector.bitcast %get3A_278 : vector<16xf32> to vector<16xi32>
    %shift_right_arithmetic3A_293 = arith.constant 1 : i32
    %shift_right_arithmetic3A_294 = vector.broadcast %shift_right_arithmetic3A_293 : i32 to vector<16xi32>
    %shift_right_arithmetic3A_295 = arith.shrsi %bitcast3A_292, %shift_right_arithmetic3A_294 : vector<16xi32>
    %sub3A_296 = arith.constant 1597463007 : i32
    %sub3A_297 = vector.broadcast %sub3A_296 : i32 to vector<16xi32>
    %sub3A_298 = arith.subi %sub3A_297, %shift_right_arithmetic3A_295 : vector<16xi32>
    %bitcast3A_299 = vector.bitcast %sub3A_298 : vector<16xi32> to vector<16xf32>
    %mul3A_300 = arith.mulf %mul3A_291, %bitcast3A_299 : vector<16xf32>
    %mul3A_301 = arith.mulf %mul3A_300, %bitcast3A_299 : vector<16xf32>
    %sub3A_302 = arith.constant 1.500000e+00 : f32
    %sub3A_303 = vector.broadcast %sub3A_302 : f32 to vector<16xf32>
    %sub3A_304 = arith.subf %sub3A_303, %mul3A_301 : vector<16xf32>
    %mul3A_305 = arith.mulf %bitcast3A_299, %sub3A_304 : vector<16xf32>
    %mul3A_306 = arith.mulf %mul3A_291, %mul3A_305 : vector<16xf32>
    %mul3A_307 = arith.mulf %mul3A_306, %mul3A_305 : vector<16xf32>
    %sub3A_308 = arith.constant 1.500000e+00 : f32
    %sub3A_309 = vector.broadcast %sub3A_308 : f32 to vector<16xf32>
    %sub3A_310 = arith.subf %sub3A_309, %mul3A_307 : vector<16xf32>
    %mul3A_311 = arith.mulf %mul3A_305, %sub3A_310 : vector<16xf32>
    %mul3A_312 = arith.mulf %mul3A_291, %mul3A_311 : vector<16xf32>
    %mul3A_313 = arith.mulf %mul3A_312, %mul3A_311 : vector<16xf32>
    %sub3A_314 = arith.constant 1.500000e+00 : f32
    %sub3A_315 = vector.broadcast %sub3A_314 : f32 to vector<16xf32>
    %sub3A_316 = arith.subf %sub3A_315, %mul3A_313 : vector<16xf32>
    %mul3A_317 = arith.mulf %mul3A_311, %sub3A_316 : vector<16xf32>
    %mul3A_318 = arith.mulf %get3A_278, %mul3A_317 : vector<16xf32>
    %mul3A_319 = arith.mulf %gather3A_287, %mul3A_318 : vector<16xf32>
    %add3A_320 = arith.addf %mul3A_319, %gather3A_288 : vector<16xf32>
    %swap3A_321 = arith.constant 96 : index
    %swap3A_322 = tpu.vector_load %arg9[%swap3A_321] {strides = array<i32>} : memref<512xf32, #tpu.memory_space<vmem>>, vector<16xf32>,
    tpu.vector_store %arg9[%swap3A_321], %add3A_320 {strides = array<i32>} : memref<512xf32, #tpu.memory_space<vmem>>, vector<16xf32>,
    %get3A_323 = arith.constant 112 : index
    %get3A_324 = tpu.vector_load %arg7[%get3A_323] {strides = array<i32>} : memref<512xf32, #tpu.memory_space<vmem>>, vector<16xf32>,
    %get3A_325 = arith.constant 112 : index
    %get3A_326 = tpu.vector_load %arg8[%get3A_325] {strides = array<i32>} : memref<512xi32, #tpu.memory_space<vmem>>, vector<16xi32>,
    %max3A_327 = arith.constant 0 : i32
    %max3A_328 = vector.broadcast %max3A_327 : i32 to vector<16xi32>
    %max3A_329 = arith.maxsi %get3A_326, %max3A_328 : vector<16xi32>
    %min3A_330 = arith.constant 6 : i32
    %min3A_331 = vector.broadcast %min3A_330 : i32 to vector<16xi32>
    %min3A_332 = arith.minsi %max3A_329, %min3A_331 : vector<16xi32>
    %gather3A_333 = tpu.vector_load_idx %arg10[%min3A_332] : memref<16xf32, #tpu.memory_space<vmem>>[vector<16xi32>], vector<16xf32>,
    %gather3A_334 = tpu.vector_load_idx %arg11[%min3A_332] : memref<16xf32, #tpu.memory_space<vmem>>[vector<16xi32>], vector<16xf32>,
    %mul3A_335 = arith.constant 5.000000e-01 : f32
    %mul3A_336 = vector.broadcast %mul3A_335 : f32 to vector<16xf32>
    %mul3A_337 = arith.mulf %get3A_324, %mul3A_336 : vector<16xf32>
    %bitcast3A_338 = vector.bitcast %get3A_324 : vector<16xf32> to vector<16xi32>
    %shift_right_arithmetic3A_339 = arith.constant 1 : i32
    %shift_right_arithmetic3A_340 = vector.broadcast %shift_right_arithmetic3A_339 : i32 to vector<16xi32>
    %shift_right_arithmetic3A_341 = arith.shrsi %bitcast3A_338, %shift_right_arithmetic3A_340 : vector<16xi32>
    %sub3A_342 = arith.constant 1597463007 : i32
    %sub3A_343 = vector.broadcast %sub3A_342 : i32 to vector<16xi32>
    %sub3A_344 = arith.subi %sub3A_343, %shift_right_arithmetic3A_341 : vector<16xi32>
    %bitcast3A_345 = vector.bitcast %sub3A_344 : vector<16xi32> to vector<16xf32>
    %mul3A_346 = arith.mulf %mul3A_337, %bitcast3A_345 : vector<16xf32>
    %mul3A_347 = arith.mulf %mul3A_346, %bitcast3A_345 : vector<16xf32>
    %sub3A_348 = arith.constant 1.500000e+00 : f32
    %sub3A_349 = vector.broadcast %sub3A_348 : f32 to vector<16xf32>
    %sub3A_350 = arith.subf %sub3A_349, %mul3A_347 : vector<16xf32>
    %mul3A_351 = arith.mulf %bitcast3A_345, %sub3A_350 : vector<16xf32>
    %mul3A_352 = arith.mulf %mul3A_337, %mul3A_351 : vector<16xf32>
    %mul3A_353 = arith.mulf %mul3A_352, %mul3A_351 : vector<16xf32>
    %sub3A_354 = arith.constant 1.500000e+00 : f32
    %sub3A_355 = vector.broadcast %sub3A_354 : f32 to vector<16xf32>
    %sub3A_356 = arith.subf %sub3A_355, %mul3A_353 : vector<16xf32>
    %mul3A_357 = arith.mulf %mul3A_351, %sub3A_356 : vector<16xf32>
    %mul3A_358 = arith.mulf %mul3A_337, %mul3A_357 : vector<16xf32>
    %mul3A_359 = arith.mulf %mul3A_358, %mul3A_357 : vector<16xf32>
    %sub3A_360 = arith.constant 1.500000e+00 : f32
    %sub3A_361 = vector.broadcast %sub3A_360 : f32 to vector<16xf32>
    %sub3A_362 = arith.subf %sub3A_361, %mul3A_359 : vector<16xf32>
    %mul3A_363 = arith.mulf %mul3A_357, %sub3A_362 : vector<16xf32>
    %mul3A_364 = arith.mulf %get3A_324, %mul3A_363 : vector<16xf32>
    %mul3A_365 = arith.mulf %gather3A_333, %mul3A_364 : vector<16xf32>
    %add3A_366 = arith.addf %mul3A_365, %gather3A_334 : vector<16xf32>
    %swap3A_367 = arith.constant 112 : index
    %swap3A_368 = tpu.vector_load %arg9[%swap3A_367] {strides = array<i32>} : memref<512xf32, #tpu.memory_space<vmem>>, vector<16xf32>,
    tpu.vector_store %arg9[%swap3A_367], %add3A_366 {strides = array<i32>} : memref<512xf32, #tpu.memory_space<vmem>>, vector<16xf32>,
    %get3A_369 = arith.constant 128 : index
    %get3A_370 = tpu.vector_load %arg7[%get3A_369] {strides = array<i32>} : memref<512xf32, #tpu.memory_space<vmem>>, vector<16xf32>,
    %get3A_371 = arith.constant 128 : index
    %get3A_372 = tpu.vector_load %arg8[%get3A_371] {strides = array<i32>} : memref<512xi32, #tpu.memory_space<vmem>>, vector<16xi32>,
    %max3A_373 = arith.constant 0 : i32
    %max3A_374 = vector.broadcast %max3A_373 : i32 to vector<16xi32>
    %max3A_375 = arith.maxsi %get3A_372, %max3A_374 : vector<16xi32>
    %min3A_376 = arith.constant 6 : i32
    %min3A_377 = vector.broadcast %min3A_376 : i32 to vector<16xi32>
    %min3A_378 = arith.minsi %max3A_375, %min3A_377 : vector<16xi32>
    %gather3A_379 = tpu.vector_load_idx %arg10[%min3A_378] : memref<16xf32, #tpu.memory_space<vmem>>[vector<16xi32>], vector<16xf32>,
    %gather3A_380 = tpu.vector_load_idx %arg11[%min3A_378] : memref<16xf32, #tpu.memory_space<vmem>>[vector<16xi32>], vector<16xf32>,
    %mul3A_381 = arith.constant 5.000000e-01 : f32
    %mul3A_382 = vector.broadcast %mul3A_381 : f32 to vector<16xf32>
    %mul3A_383 = arith.mulf %get3A_370, %mul3A_382 : vector<16xf32>
    %bitcast3A_384 = vector.bitcast %get3A_370 : vector<16xf32> to vector<16xi32>
    %shift_right_arithmetic3A_385 = arith.constant 1 : i32
    %shift_right_arithmetic3A_386 = vector.broadcast %shift_right_arithmetic3A_385 : i32 to vector<16xi32>
    %shift_right_arithmetic3A_387 = arith.shrsi %bitcast3A_384, %shift_right_arithmetic3A_386 : vector<16xi32>
    %sub3A_388 = arith.constant 1597463007 : i32
    %sub3A_389 = vector.broadcast %sub3A_388 : i32 to vector<16xi32>
    %sub3A_390 = arith.subi %sub3A_389, %shift_right_arithmetic3A_387 : vector<16xi32>
    %bitcast3A_391 = vector.bitcast %sub3A_390 : vector<16xi32> to vector<16xf32>
    %mul3A_392 = arith.mulf %mul3A_383, %bitcast3A_391 : vector<16xf32>
    %mul3A_393 = arith.mulf %mul3A_392, %bitcast3A_391 : vector<16xf32>
    %sub3A_394 = arith.constant 1.500000e+00 : f32
    %sub3A_395 = vector.broadcast %sub3A_394 : f32 to vector<16xf32>
    %sub3A_396 = arith.subf %sub3A_395, %mul3A_393 : vector<16xf32>
    %mul3A_397 = arith.mulf %bitcast3A_391, %sub3A_396 : vector<16xf32>
    %mul3A_398 = arith.mulf %mul3A_383, %mul3A_397 : vector<16xf32>
    %mul3A_399 = arith.mulf %mul3A_398, %mul3A_397 : vector<16xf32>
    %sub3A_400 = arith.constant 1.500000e+00 : f32
    %sub3A_401 = vector.broadcast %sub3A_400 : f32 to vector<16xf32>
    %sub3A_402 = arith.subf %sub3A_401, %mul3A_399 : vector<16xf32>
    %mul3A_403 = arith.mulf %mul3A_397, %sub3A_402 : vector<16xf32>
    %mul3A_404 = arith.mulf %mul3A_383, %mul3A_403 : vector<16xf32>
    %mul3A_405 = arith.mulf %mul3A_404, %mul3A_403 : vector<16xf32>
    %sub3A_406 = arith.constant 1.500000e+00 : f32
    %sub3A_407 = vector.broadcast %sub3A_406 : f32 to vector<16xf32>
    %sub3A_408 = arith.subf %sub3A_407, %mul3A_405 : vector<16xf32>
    %mul3A_409 = arith.mulf %mul3A_403, %sub3A_408 : vector<16xf32>
    %mul3A_410 = arith.mulf %get3A_370, %mul3A_409 : vector<16xf32>
    %mul3A_411 = arith.mulf %gather3A_379, %mul3A_410 : vector<16xf32>
    %add3A_412 = arith.addf %mul3A_411, %gather3A_380 : vector<16xf32>
    %swap3A_413 = arith.constant 128 : index
    %swap3A_414 = tpu.vector_load %arg9[%swap3A_413] {strides = array<i32>} : memref<512xf32, #tpu.memory_space<vmem>>, vector<16xf32>,
    tpu.vector_store %arg9[%swap3A_413], %add3A_412 {strides = array<i32>} : memref<512xf32, #tpu.memory_space<vmem>>, vector<16xf32>,
    %get3A_415 = arith.constant 144 : index
    %get3A_416 = tpu.vector_load %arg7[%get3A_415] {strides = array<i32>} : memref<512xf32, #tpu.memory_space<vmem>>, vector<16xf32>,
    %get3A_417 = arith.constant 144 : index
    %get3A_418 = tpu.vector_load %arg8[%get3A_417] {strides = array<i32>} : memref<512xi32, #tpu.memory_space<vmem>>, vector<16xi32>,
    %max3A_419 = arith.constant 0 : i32
    %max3A_420 = vector.broadcast %max3A_419 : i32 to vector<16xi32>
    %max3A_421 = arith.maxsi %get3A_418, %max3A_420 : vector<16xi32>
    %min3A_422 = arith.constant 6 : i32
    %min3A_423 = vector.broadcast %min3A_422 : i32 to vector<16xi32>
    %min3A_424 = arith.minsi %max3A_421, %min3A_423 : vector<16xi32>
    %gather3A_425 = tpu.vector_load_idx %arg10[%min3A_424] : memref<16xf32, #tpu.memory_space<vmem>>[vector<16xi32>], vector<16xf32>,
    %gather3A_426 = tpu.vector_load_idx %arg11[%min3A_424] : memref<16xf32, #tpu.memory_space<vmem>>[vector<16xi32>], vector<16xf32>,
    %mul3A_427 = arith.constant 5.000000e-01 : f32
    %mul3A_428 = vector.broadcast %mul3A_427 : f32 to vector<16xf32>
    %mul3A_429 = arith.mulf %get3A_416, %mul3A_428 : vector<16xf32>
    %bitcast3A_430 = vector.bitcast %get3A_416 : vector<16xf32> to vector<16xi32>
    %shift_right_arithmetic3A_431 = arith.constant 1 : i32
    %shift_right_arithmetic3A_432 = vector.broadcast %shift_right_arithmetic3A_431 : i32 to vector<16xi32>
    %shift_right_arithmetic3A_433 = arith.shrsi %bitcast3A_430, %shift_right_arithmetic3A_432 : vector<16xi32>
    %sub3A_434 = arith.constant 1597463007 : i32
    %sub3A_435 = vector.broadcast %sub3A_434 : i32 to vector<16xi32>
    %sub3A_436 = arith.subi %sub3A_435, %shift_right_arithmetic3A_433 : vector<16xi32>
    %bitcast3A_437 = vector.bitcast %sub3A_436 : vector<16xi32> to vector<16xf32>
    %mul3A_438 = arith.mulf %mul3A_429, %bitcast3A_437 : vector<16xf32>
    %mul3A_439 = arith.mulf %mul3A_438, %bitcast3A_437 : vector<16xf32>
    %sub3A_440 = arith.constant 1.500000e+00 : f32
    %sub3A_441 = vector.broadcast %sub3A_440 : f32 to vector<16xf32>
    %sub3A_442 = arith.subf %sub3A_441, %mul3A_439 : vector<16xf32>
    %mul3A_443 = arith.mulf %bitcast3A_437, %sub3A_442 : vector<16xf32>
    %mul3A_444 = arith.mulf %mul3A_429, %mul3A_443 : vector<16xf32>
    %mul3A_445 = arith.mulf %mul3A_444, %mul3A_443 : vector<16xf32>
    %sub3A_446 = arith.constant 1.500000e+00 : f32
    %sub3A_447 = vector.broadcast %sub3A_446 : f32 to vector<16xf32>
    %sub3A_448 = arith.subf %sub3A_447, %mul3A_445 : vector<16xf32>
    %mul3A_449 = arith.mulf %mul3A_443, %sub3A_448 : vector<16xf32>
    %mul3A_450 = arith.mulf %mul3A_429, %mul3A_449 : vector<16xf32>
    %mul3A_451 = arith.mulf %mul3A_450, %mul3A_449 : vector<16xf32>
    %sub3A_452 = arith.constant 1.500000e+00 : f32
    %sub3A_453 = vector.broadcast %sub3A_452 : f32 to vector<16xf32>
    %sub3A_454 = arith.subf %sub3A_453, %mul3A_451 : vector<16xf32>
    %mul3A_455 = arith.mulf %mul3A_449, %sub3A_454 : vector<16xf32>
    %mul3A_456 = arith.mulf %get3A_416, %mul3A_455 : vector<16xf32>
    %mul3A_457 = arith.mulf %gather3A_425, %mul3A_456 : vector<16xf32>
    %add3A_458 = arith.addf %mul3A_457, %gather3A_426 : vector<16xf32>
    %swap3A_459 = arith.constant 144 : index
    %swap3A_460 = tpu.vector_load %arg9[%swap3A_459] {strides = array<i32>} : memref<512xf32, #tpu.memory_space<vmem>>, vector<16xf32>,
    tpu.vector_store %arg9[%swap3A_459], %add3A_458 {strides = array<i32>} : memref<512xf32, #tpu.memory_space<vmem>>, vector<16xf32>,
    %get3A_461 = arith.constant 160 : index
    %get3A_462 = tpu.vector_load %arg7[%get3A_461] {strides = array<i32>} : memref<512xf32, #tpu.memory_space<vmem>>, vector<16xf32>,
    %get3A_463 = arith.constant 160 : index
    %get3A_464 = tpu.vector_load %arg8[%get3A_463] {strides = array<i32>} : memref<512xi32, #tpu.memory_space<vmem>>, vector<16xi32>,
    %max3A_465 = arith.constant 0 : i32
    %max3A_466 = vector.broadcast %max3A_465 : i32 to vector<16xi32>
    %max3A_467 = arith.maxsi %get3A_464, %max3A_466 : vector<16xi32>
    %min3A_468 = arith.constant 6 : i32
    %min3A_469 = vector.broadcast %min3A_468 : i32 to vector<16xi32>
    %min3A_470 = arith.minsi %max3A_467, %min3A_469 : vector<16xi32>
    %gather3A_471 = tpu.vector_load_idx %arg10[%min3A_470] : memref<16xf32, #tpu.memory_space<vmem>>[vector<16xi32>], vector<16xf32>,
    %gather3A_472 = tpu.vector_load_idx %arg11[%min3A_470] : memref<16xf32, #tpu.memory_space<vmem>>[vector<16xi32>], vector<16xf32>,
    %mul3A_473 = arith.constant 5.000000e-01 : f32
    %mul3A_474 = vector.broadcast %mul3A_473 : f32 to vector<16xf32>
    %mul3A_475 = arith.mulf %get3A_462, %mul3A_474 : vector<16xf32>
    %bitcast3A_476 = vector.bitcast %get3A_462 : vector<16xf32> to vector<16xi32>
    %shift_right_arithmetic3A_477 = arith.constant 1 : i32
    %shift_right_arithmetic3A_478 = vector.broadcast %shift_right_arithmetic3A_477 : i32 to vector<16xi32>
    %shift_right_arithmetic3A_479 = arith.shrsi %bitcast3A_476, %shift_right_arithmetic3A_478 : vector<16xi32>
    %sub3A_480 = arith.constant 1597463007 : i32
    %sub3A_481 = vector.broadcast %sub3A_480 : i32 to vector<16xi32>
    %sub3A_482 = arith.subi %sub3A_481, %shift_right_arithmetic3A_479 : vector<16xi32>
    %bitcast3A_483 = vector.bitcast %sub3A_482 : vector<16xi32> to vector<16xf32>
    %mul3A_484 = arith.mulf %mul3A_475, %bitcast3A_483 : vector<16xf32>
    %mul3A_485 = arith.mulf %mul3A_484, %bitcast3A_483 : vector<16xf32>
    %sub3A_486 = arith.constant 1.500000e+00 : f32
    %sub3A_487 = vector.broadcast %sub3A_486 : f32 to vector<16xf32>
    %sub3A_488 = arith.subf %sub3A_487, %mul3A_485 : vector<16xf32>
    %mul3A_489 = arith.mulf %bitcast3A_483, %sub3A_488 : vector<16xf32>
    %mul3A_490 = arith.mulf %mul3A_475, %mul3A_489 : vector<16xf32>
    %mul3A_491 = arith.mulf %mul3A_490, %mul3A_489 : vector<16xf32>
    %sub3A_492 = arith.constant 1.500000e+00 : f32
    %sub3A_493 = vector.broadcast %sub3A_492 : f32 to vector<16xf32>
    %sub3A_494 = arith.subf %sub3A_493, %mul3A_491 : vector<16xf32>
    %mul3A_495 = arith.mulf %mul3A_489, %sub3A_494 : vector<16xf32>
    %mul3A_496 = arith.mulf %mul3A_475, %mul3A_495 : vector<16xf32>
    %mul3A_497 = arith.mulf %mul3A_496, %mul3A_495 : vector<16xf32>
    %sub3A_498 = arith.constant 1.500000e+00 : f32
    %sub3A_499 = vector.broadcast %sub3A_498 : f32 to vector<16xf32>
    %sub3A_500 = arith.subf %sub3A_499, %mul3A_497 : vector<16xf32>
    %mul3A_501 = arith.mulf %mul3A_495, %sub3A_500 : vector<16xf32>
    %mul3A_502 = arith.mulf %get3A_462, %mul3A_501 : vector<16xf32>
    %mul3A_503 = arith.mulf %gather3A_471, %mul3A_502 : vector<16xf32>
    %add3A_504 = arith.addf %mul3A_503, %gather3A_472 : vector<16xf32>
    %swap3A_505 = arith.constant 160 : index
    %swap3A_506 = tpu.vector_load %arg9[%swap3A_505] {strides = array<i32>} : memref<512xf32, #tpu.memory_space<vmem>>, vector<16xf32>,
    tpu.vector_store %arg9[%swap3A_505], %add3A_504 {strides = array<i32>} : memref<512xf32, #tpu.memory_space<vmem>>, vector<16xf32>,
    %get3A_507 = arith.constant 176 : index
    %get3A_508 = tpu.vector_load %arg7[%get3A_507] {strides = array<i32>} : memref<512xf32, #tpu.memory_space<vmem>>, vector<16xf32>,
    %get3A_509 = arith.constant 176 : index
    %get3A_510 = tpu.vector_load %arg8[%get3A_509] {strides = array<i32>} : memref<512xi32, #tpu.memory_space<vmem>>, vector<16xi32>,
    %max3A_511 = arith.constant 0 : i32
    %max3A_512 = vector.broadcast %max3A_511 : i32 to vector<16xi32>
    %max3A_513 = arith.maxsi %get3A_510, %max3A_512 : vector<16xi32>
    %min3A_514 = arith.constant 6 : i32
    %min3A_515 = vector.broadcast %min3A_514 : i32 to vector<16xi32>
    %min3A_516 = arith.minsi %max3A_513, %min3A_515 : vector<16xi32>
    %gather3A_517 = tpu.vector_load_idx %arg10[%min3A_516] : memref<16xf32, #tpu.memory_space<vmem>>[vector<16xi32>], vector<16xf32>,
    %gather3A_518 = tpu.vector_load_idx %arg11[%min3A_516] : memref<16xf32, #tpu.memory_space<vmem>>[vector<16xi32>], vector<16xf32>,
    %mul3A_519 = arith.constant 5.000000e-01 : f32
    %mul3A_520 = vector.broadcast %mul3A_519 : f32 to vector<16xf32>
    %mul3A_521 = arith.mulf %get3A_508, %mul3A_520 : vector<16xf32>
    %bitcast3A_522 = vector.bitcast %get3A_508 : vector<16xf32> to vector<16xi32>
    %shift_right_arithmetic3A_523 = arith.constant 1 : i32
    %shift_right_arithmetic3A_524 = vector.broadcast %shift_right_arithmetic3A_523 : i32 to vector<16xi32>
    %shift_right_arithmetic3A_525 = arith.shrsi %bitcast3A_522, %shift_right_arithmetic3A_524 : vector<16xi32>
    %sub3A_526 = arith.constant 1597463007 : i32
    %sub3A_527 = vector.broadcast %sub3A_526 : i32 to vector<16xi32>
    %sub3A_528 = arith.subi %sub3A_527, %shift_right_arithmetic3A_525 : vector<16xi32>
    %bitcast3A_529 = vector.bitcast %sub3A_528 : vector<16xi32> to vector<16xf32>
    %mul3A_530 = arith.mulf %mul3A_521, %bitcast3A_529 : vector<16xf32>
    %mul3A_531 = arith.mulf %mul3A_530, %bitcast3A_529 : vector<16xf32>
    %sub3A_532 = arith.constant 1.500000e+00 : f32
    %sub3A_533 = vector.broadcast %sub3A_532 : f32 to vector<16xf32>
    %sub3A_534 = arith.subf %sub3A_533, %mul3A_531 : vector<16xf32>
    %mul3A_535 = arith.mulf %bitcast3A_529, %sub3A_534 : vector<16xf32>
    %mul3A_536 = arith.mulf %mul3A_521, %mul3A_535 : vector<16xf32>
    %mul3A_537 = arith.mulf %mul3A_536, %mul3A_535 : vector<16xf32>
    %sub3A_538 = arith.constant 1.500000e+00 : f32
    %sub3A_539 = vector.broadcast %sub3A_538 : f32 to vector<16xf32>
    %sub3A_540 = arith.subf %sub3A_539, %mul3A_537 : vector<16xf32>
    %mul3A_541 = arith.mulf %mul3A_535, %sub3A_540 : vector<16xf32>
    %mul3A_542 = arith.mulf %mul3A_521, %mul3A_541 : vector<16xf32>
    %mul3A_543 = arith.mulf %mul3A_542, %mul3A_541 : vector<16xf32>
    %sub3A_544 = arith.constant 1.500000e+00 : f32
    %sub3A_545 = vector.broadcast %sub3A_544 : f32 to vector<16xf32>
    %sub3A_546 = arith.subf %sub3A_545, %mul3A_543 : vector<16xf32>
    %mul3A_547 = arith.mulf %mul3A_541, %sub3A_546 : vector<16xf32>
    %mul3A_548 = arith.mulf %get3A_508, %mul3A_547 : vector<16xf32>
    %mul3A_549 = arith.mulf %gather3A_517, %mul3A_548 : vector<16xf32>
    %add3A_550 = arith.addf %mul3A_549, %gather3A_518 : vector<16xf32>
    %swap3A_551 = arith.constant 176 : index
    %swap3A_552 = tpu.vector_load %arg9[%swap3A_551] {strides = array<i32>} : memref<512xf32, #tpu.memory_space<vmem>>, vector<16xf32>,
    tpu.vector_store %arg9[%swap3A_551], %add3A_550 {strides = array<i32>} : memref<512xf32, #tpu.memory_space<vmem>>, vector<16xf32>,
    %get3A_553 = arith.constant 192 : index
    %get3A_554 = tpu.vector_load %arg7[%get3A_553] {strides = array<i32>} : memref<512xf32, #tpu.memory_space<vmem>>, vector<16xf32>,
    %get3A_555 = arith.constant 192 : index
    %get3A_556 = tpu.vector_load %arg8[%get3A_555] {strides = array<i32>} : memref<512xi32, #tpu.memory_space<vmem>>, vector<16xi32>,
    %max3A_557 = arith.constant 0 : i32
    %max3A_558 = vector.broadcast %max3A_557 : i32 to vector<16xi32>
    %max3A_559 = arith.maxsi %get3A_556, %max3A_558 : vector<16xi32>
    %min3A_560 = arith.constant 6 : i32
    %min3A_561 = vector.broadcast %min3A_560 : i32 to vector<16xi32>
    %min3A_562 = arith.minsi %max3A_559, %min3A_561 : vector<16xi32>
    %gather3A_563 = tpu.vector_load_idx %arg10[%min3A_562] : memref<16xf32, #tpu.memory_space<vmem>>[vector<16xi32>], vector<16xf32>,
    %gather3A_564 = tpu.vector_load_idx %arg11[%min3A_562] : memref<16xf32, #tpu.memory_space<vmem>>[vector<16xi32>], vector<16xf32>,
    %mul3A_565 = arith.constant 5.000000e-01 : f32
    %mul3A_566 = vector.broadcast %mul3A_565 : f32 to vector<16xf32>
    %mul3A_567 = arith.mulf %get3A_554, %mul3A_566 : vector<16xf32>
    %bitcast3A_568 = vector.bitcast %get3A_554 : vector<16xf32> to vector<16xi32>
    %shift_right_arithmetic3A_569 = arith.constant 1 : i32
    %shift_right_arithmetic3A_570 = vector.broadcast %shift_right_arithmetic3A_569 : i32 to vector<16xi32>
    %shift_right_arithmetic3A_571 = arith.shrsi %bitcast3A_568, %shift_right_arithmetic3A_570 : vector<16xi32>
    %sub3A_572 = arith.constant 1597463007 : i32
    %sub3A_573 = vector.broadcast %sub3A_572 : i32 to vector<16xi32>
    %sub3A_574 = arith.subi %sub3A_573, %shift_right_arithmetic3A_571 : vector<16xi32>
    %bitcast3A_575 = vector.bitcast %sub3A_574 : vector<16xi32> to vector<16xf32>
    %mul3A_576 = arith.mulf %mul3A_567, %bitcast3A_575 : vector<16xf32>
    %mul3A_577 = arith.mulf %mul3A_576, %bitcast3A_575 : vector<16xf32>
    %sub3A_578 = arith.constant 1.500000e+00 : f32
    %sub3A_579 = vector.broadcast %sub3A_578 : f32 to vector<16xf32>
    %sub3A_580 = arith.subf %sub3A_579, %mul3A_577 : vector<16xf32>
    %mul3A_581 = arith.mulf %bitcast3A_575, %sub3A_580 : vector<16xf32>
    %mul3A_582 = arith.mulf %mul3A_567, %mul3A_581 : vector<16xf32>
    %mul3A_583 = arith.mulf %mul3A_582, %mul3A_581 : vector<16xf32>
    %sub3A_584 = arith.constant 1.500000e+00 : f32
    %sub3A_585 = vector.broadcast %sub3A_584 : f32 to vector<16xf32>
    %sub3A_586 = arith.subf %sub3A_585, %mul3A_583 : vector<16xf32>
    %mul3A_587 = arith.mulf %mul3A_581, %sub3A_586 : vector<16xf32>
    %mul3A_588 = arith.mulf %mul3A_567, %mul3A_587 : vector<16xf32>
    %mul3A_589 = arith.mulf %mul3A_588, %mul3A_587 : vector<16xf32>
    %sub3A_590 = arith.constant 1.500000e+00 : f32
    %sub3A_591 = vector.broadcast %sub3A_590 : f32 to vector<16xf32>
    %sub3A_592 = arith.subf %sub3A_591, %mul3A_589 : vector<16xf32>
    %mul3A_593 = arith.mulf %mul3A_587, %sub3A_592 : vector<16xf32>
    %mul3A_594 = arith.mulf %get3A_554, %mul3A_593 : vector<16xf32>
    %mul3A_595 = arith.mulf %gather3A_563, %mul3A_594 : vector<16xf32>
    %add3A_596 = arith.addf %mul3A_595, %gather3A_564 : vector<16xf32>
    %swap3A_597 = arith.constant 192 : index
    %swap3A_598 = tpu.vector_load %arg9[%swap3A_597] {strides = array<i32>} : memref<512xf32, #tpu.memory_space<vmem>>, vector<16xf32>,
    tpu.vector_store %arg9[%swap3A_597], %add3A_596 {strides = array<i32>} : memref<512xf32, #tpu.memory_space<vmem>>, vector<16xf32>,
    %get3A_599 = arith.constant 208 : index
    %get3A_600 = tpu.vector_load %arg7[%get3A_599] {strides = array<i32>} : memref<512xf32, #tpu.memory_space<vmem>>, vector<16xf32>,
    %get3A_601 = arith.constant 208 : index
    %get3A_602 = tpu.vector_load %arg8[%get3A_601] {strides = array<i32>} : memref<512xi32, #tpu.memory_space<vmem>>, vector<16xi32>,
    %max3A_603 = arith.constant 0 : i32
    %max3A_604 = vector.broadcast %max3A_603 : i32 to vector<16xi32>
    %max3A_605 = arith.maxsi %get3A_602, %max3A_604 : vector<16xi32>
    %min3A_606 = arith.constant 6 : i32
    %min3A_607 = vector.broadcast %min3A_606 : i32 to vector<16xi32>
    %min3A_608 = arith.minsi %max3A_605, %min3A_607 : vector<16xi32>
    %gather3A_609 = tpu.vector_load_idx %arg10[%min3A_608] : memref<16xf32, #tpu.memory_space<vmem>>[vector<16xi32>], vector<16xf32>,
    %gather3A_610 = tpu.vector_load_idx %arg11[%min3A_608] : memref<16xf32, #tpu.memory_space<vmem>>[vector<16xi32>], vector<16xf32>,
    %mul3A_611 = arith.constant 5.000000e-01 : f32
    %mul3A_612 = vector.broadcast %mul3A_611 : f32 to vector<16xf32>
    %mul3A_613 = arith.mulf %get3A_600, %mul3A_612 : vector<16xf32>
    %bitcast3A_614 = vector.bitcast %get3A_600 : vector<16xf32> to vector<16xi32>
    %shift_right_arithmetic3A_615 = arith.constant 1 : i32
    %shift_right_arithmetic3A_616 = vector.broadcast %shift_right_arithmetic3A_615 : i32 to vector<16xi32>
    %shift_right_arithmetic3A_617 = arith.shrsi %bitcast3A_614, %shift_right_arithmetic3A_616 : vector<16xi32>
    %sub3A_618 = arith.constant 1597463007 : i32
    %sub3A_619 = vector.broadcast %sub3A_618 : i32 to vector<16xi32>
    %sub3A_620 = arith.subi %sub3A_619, %shift_right_arithmetic3A_617 : vector<16xi32>
    %bitcast3A_621 = vector.bitcast %sub3A_620 : vector<16xi32> to vector<16xf32>
    %mul3A_622 = arith.mulf %mul3A_613, %bitcast3A_621 : vector<16xf32>
    %mul3A_623 = arith.mulf %mul3A_622, %bitcast3A_621 : vector<16xf32>
    %sub3A_624 = arith.constant 1.500000e+00 : f32
    %sub3A_625 = vector.broadcast %sub3A_624 : f32 to vector<16xf32>
    %sub3A_626 = arith.subf %sub3A_625, %mul3A_623 : vector<16xf32>
    %mul3A_627 = arith.mulf %bitcast3A_621, %sub3A_626 : vector<16xf32>
    %mul3A_628 = arith.mulf %mul3A_613, %mul3A_627 : vector<16xf32>
    %mul3A_629 = arith.mulf %mul3A_628, %mul3A_627 : vector<16xf32>
    %sub3A_630 = arith.constant 1.500000e+00 : f32
    %sub3A_631 = vector.broadcast %sub3A_630 : f32 to vector<16xf32>
    %sub3A_632 = arith.subf %sub3A_631, %mul3A_629 : vector<16xf32>
    %mul3A_633 = arith.mulf %mul3A_627, %sub3A_632 : vector<16xf32>
    %mul3A_634 = arith.mulf %mul3A_613, %mul3A_633 : vector<16xf32>
    %mul3A_635 = arith.mulf %mul3A_634, %mul3A_633 : vector<16xf32>
    %sub3A_636 = arith.constant 1.500000e+00 : f32
    %sub3A_637 = vector.broadcast %sub3A_636 : f32 to vector<16xf32>
    %sub3A_638 = arith.subf %sub3A_637, %mul3A_635 : vector<16xf32>
    %mul3A_639 = arith.mulf %mul3A_633, %sub3A_638 : vector<16xf32>
    %mul3A_640 = arith.mulf %get3A_600, %mul3A_639 : vector<16xf32>
    %mul3A_641 = arith.mulf %gather3A_609, %mul3A_640 : vector<16xf32>
    %add3A_642 = arith.addf %mul3A_641, %gather3A_610 : vector<16xf32>
    %swap3A_643 = arith.constant 208 : index
    %swap3A_644 = tpu.vector_load %arg9[%swap3A_643] {strides = array<i32>} : memref<512xf32, #tpu.memory_space<vmem>>, vector<16xf32>,
    tpu.vector_store %arg9[%swap3A_643], %add3A_642 {strides = array<i32>} : memref<512xf32, #tpu.memory_space<vmem>>, vector<16xf32>,
    %get3A_645 = arith.constant 224 : index
    %get3A_646 = tpu.vector_load %arg7[%get3A_645] {strides = array<i32>} : memref<512xf32, #tpu.memory_space<vmem>>, vector<16xf32>,
    %get3A_647 = arith.constant 224 : index
    %get3A_648 = tpu.vector_load %arg8[%get3A_647] {strides = array<i32>} : memref<512xi32, #tpu.memory_space<vmem>>, vector<16xi32>,
    %max3A_649 = arith.constant 0 : i32
    %max3A_650 = vector.broadcast %max3A_649 : i32 to vector<16xi32>
    %max3A_651 = arith.maxsi %get3A_648, %max3A_650 : vector<16xi32>
    %min3A_652 = arith.constant 6 : i32
    %min3A_653 = vector.broadcast %min3A_652 : i32 to vector<16xi32>
    %min3A_654 = arith.minsi %max3A_651, %min3A_653 : vector<16xi32>
    %gather3A_655 = tpu.vector_load_idx %arg10[%min3A_654] : memref<16xf32, #tpu.memory_space<vmem>>[vector<16xi32>], vector<16xf32>,
    %gather3A_656 = tpu.vector_load_idx %arg11[%min3A_654] : memref<16xf32, #tpu.memory_space<vmem>>[vector<16xi32>], vector<16xf32>,
    %mul3A_657 = arith.constant 5.000000e-01 : f32
    %mul3A_658 = vector.broadcast %mul3A_657 : f32 to vector<16xf32>
    %mul3A_659 = arith.mulf %get3A_646, %mul3A_658 : vector<16xf32>
    %bitcast3A_660 = vector.bitcast %get3A_646 : vector<16xf32> to vector<16xi32>
    %shift_right_arithmetic3A_661 = arith.constant 1 : i32
    %shift_right_arithmetic3A_662 = vector.broadcast %shift_right_arithmetic3A_661 : i32 to vector<16xi32>
    %shift_right_arithmetic3A_663 = arith.shrsi %bitcast3A_660, %shift_right_arithmetic3A_662 : vector<16xi32>
    %sub3A_664 = arith.constant 1597463007 : i32
    %sub3A_665 = vector.broadcast %sub3A_664 : i32 to vector<16xi32>
    %sub3A_666 = arith.subi %sub3A_665, %shift_right_arithmetic3A_663 : vector<16xi32>
    %bitcast3A_667 = vector.bitcast %sub3A_666 : vector<16xi32> to vector<16xf32>
    %mul3A_668 = arith.mulf %mul3A_659, %bitcast3A_667 : vector<16xf32>
    %mul3A_669 = arith.mulf %mul3A_668, %bitcast3A_667 : vector<16xf32>
    %sub3A_670 = arith.constant 1.500000e+00 : f32
    %sub3A_671 = vector.broadcast %sub3A_670 : f32 to vector<16xf32>
    %sub3A_672 = arith.subf %sub3A_671, %mul3A_669 : vector<16xf32>
    %mul3A_673 = arith.mulf %bitcast3A_667, %sub3A_672 : vector<16xf32>
    %mul3A_674 = arith.mulf %mul3A_659, %mul3A_673 : vector<16xf32>
    %mul3A_675 = arith.mulf %mul3A_674, %mul3A_673 : vector<16xf32>
    %sub3A_676 = arith.constant 1.500000e+00 : f32
    %sub3A_677 = vector.broadcast %sub3A_676 : f32 to vector<16xf32>
    %sub3A_678 = arith.subf %sub3A_677, %mul3A_675 : vector<16xf32>
    %mul3A_679 = arith.mulf %mul3A_673, %sub3A_678 : vector<16xf32>
    %mul3A_680 = arith.mulf %mul3A_659, %mul3A_679 : vector<16xf32>
    %mul3A_681 = arith.mulf %mul3A_680, %mul3A_679 : vector<16xf32>
    %sub3A_682 = arith.constant 1.500000e+00 : f32
    %sub3A_683 = vector.broadcast %sub3A_682 : f32 to vector<16xf32>
    %sub3A_684 = arith.subf %sub3A_683, %mul3A_681 : vector<16xf32>
    %mul3A_685 = arith.mulf %mul3A_679, %sub3A_684 : vector<16xf32>
    %mul3A_686 = arith.mulf %get3A_646, %mul3A_685 : vector<16xf32>
    %mul3A_687 = arith.mulf %gather3A_655, %mul3A_686 : vector<16xf32>
    %add3A_688 = arith.addf %mul3A_687, %gather3A_656 : vector<16xf32>
    %swap3A_689 = arith.constant 224 : index
    %swap3A_690 = tpu.vector_load %arg9[%swap3A_689] {strides = array<i32>} : memref<512xf32, #tpu.memory_space<vmem>>, vector<16xf32>,
    tpu.vector_store %arg9[%swap3A_689], %add3A_688 {strides = array<i32>} : memref<512xf32, #tpu.memory_space<vmem>>, vector<16xf32>,
    %get3A_691 = arith.constant 240 : index
    %get3A_692 = tpu.vector_load %arg7[%get3A_691] {strides = array<i32>} : memref<512xf32, #tpu.memory_space<vmem>>, vector<16xf32>,
    %get3A_693 = arith.constant 240 : index
    %get3A_694 = tpu.vector_load %arg8[%get3A_693] {strides = array<i32>} : memref<512xi32, #tpu.memory_space<vmem>>, vector<16xi32>,
    %max3A_695 = arith.constant 0 : i32
    %max3A_696 = vector.broadcast %max3A_695 : i32 to vector<16xi32>
    %max3A_697 = arith.maxsi %get3A_694, %max3A_696 : vector<16xi32>
    %min3A_698 = arith.constant 6 : i32
    %min3A_699 = vector.broadcast %min3A_698 : i32 to vector<16xi32>
    %min3A_700 = arith.minsi %max3A_697, %min3A_699 : vector<16xi32>
    %gather3A_701 = tpu.vector_load_idx %arg10[%min3A_700] : memref<16xf32, #tpu.memory_space<vmem>>[vector<16xi32>], vector<16xf32>,
    %gather3A_702 = tpu.vector_load_idx %arg11[%min3A_700] : memref<16xf32, #tpu.memory_space<vmem>>[vector<16xi32>], vector<16xf32>,
    %mul3A_703 = arith.constant 5.000000e-01 : f32
    %mul3A_704 = vector.broadcast %mul3A_703 : f32 to vector<16xf32>
    %mul3A_705 = arith.mulf %get3A_692, %mul3A_704 : vector<16xf32>
    %bitcast3A_706 = vector.bitcast %get3A_692 : vector<16xf32> to vector<16xi32>
    %shift_right_arithmetic3A_707 = arith.constant 1 : i32
    %shift_right_arithmetic3A_708 = vector.broadcast %shift_right_arithmetic3A_707 : i32 to vector<16xi32>
    %shift_right_arithmetic3A_709 = arith.shrsi %bitcast3A_706, %shift_right_arithmetic3A_708 : vector<16xi32>
    %sub3A_710 = arith.constant 1597463007 : i32
    %sub3A_711 = vector.broadcast %sub3A_710 : i32 to vector<16xi32>
    %sub3A_712 = arith.subi %sub3A_711, %shift_right_arithmetic3A_709 : vector<16xi32>
    %bitcast3A_713 = vector.bitcast %sub3A_712 : vector<16xi32> to vector<16xf32>
    %mul3A_714 = arith.mulf %mul3A_705, %bitcast3A_713 : vector<16xf32>
    %mul3A_715 = arith.mulf %mul3A_714, %bitcast3A_713 : vector<16xf32>
    %sub3A_716 = arith.constant 1.500000e+00 : f32
    %sub3A_717 = vector.broadcast %sub3A_716 : f32 to vector<16xf32>
    %sub3A_718 = arith.subf %sub3A_717, %mul3A_715 : vector<16xf32>
    %mul3A_719 = arith.mulf %bitcast3A_713, %sub3A_718 : vector<16xf32>
    %mul3A_720 = arith.mulf %mul3A_705, %mul3A_719 : vector<16xf32>
    %mul3A_721 = arith.mulf %mul3A_720, %mul3A_719 : vector<16xf32>
    %sub3A_722 = arith.constant 1.500000e+00 : f32
    %sub3A_723 = vector.broadcast %sub3A_722 : f32 to vector<16xf32>
    %sub3A_724 = arith.subf %sub3A_723, %mul3A_721 : vector<16xf32>
    %mul3A_725 = arith.mulf %mul3A_719, %sub3A_724 : vector<16xf32>
    %mul3A_726 = arith.mulf %mul3A_705, %mul3A_725 : vector<16xf32>
    %mul3A_727 = arith.mulf %mul3A_726, %mul3A_725 : vector<16xf32>
    %sub3A_728 = arith.constant 1.500000e+00 : f32
    %sub3A_729 = vector.broadcast %sub3A_728 : f32 to vector<16xf32>
    %sub3A_730 = arith.subf %sub3A_729, %mul3A_727 : vector<16xf32>
    %mul3A_731 = arith.mulf %mul3A_725, %sub3A_730 : vector<16xf32>
    %mul3A_732 = arith.mulf %get3A_692, %mul3A_731 : vector<16xf32>
    %mul3A_733 = arith.mulf %gather3A_701, %mul3A_732 : vector<16xf32>
    %add3A_734 = arith.addf %mul3A_733, %gather3A_702 : vector<16xf32>
    %swap3A_735 = arith.constant 240 : index
    %swap3A_736 = tpu.vector_load %arg9[%swap3A_735] {strides = array<i32>} : memref<512xf32, #tpu.memory_space<vmem>>, vector<16xf32>,
    tpu.vector_store %arg9[%swap3A_735], %add3A_734 {strides = array<i32>} : memref<512xf32, #tpu.memory_space<vmem>>, vector<16xf32>,
    %get3A_737 = arith.constant 256 : index
    %get3A_738 = tpu.vector_load %arg7[%get3A_737] {strides = array<i32>} : memref<512xf32, #tpu.memory_space<vmem>>, vector<16xf32>,
    %get3A_739 = arith.constant 256 : index
    %get3A_740 = tpu.vector_load %arg8[%get3A_739] {strides = array<i32>} : memref<512xi32, #tpu.memory_space<vmem>>, vector<16xi32>,
    %max3A_741 = arith.constant 0 : i32
    %max3A_742 = vector.broadcast %max3A_741 : i32 to vector<16xi32>
    %max3A_743 = arith.maxsi %get3A_740, %max3A_742 : vector<16xi32>
    %min3A_744 = arith.constant 6 : i32
    %min3A_745 = vector.broadcast %min3A_744 : i32 to vector<16xi32>
    %min3A_746 = arith.minsi %max3A_743, %min3A_745 : vector<16xi32>
    %gather3A_747 = tpu.vector_load_idx %arg10[%min3A_746] : memref<16xf32, #tpu.memory_space<vmem>>[vector<16xi32>], vector<16xf32>,
    %gather3A_748 = tpu.vector_load_idx %arg11[%min3A_746] : memref<16xf32, #tpu.memory_space<vmem>>[vector<16xi32>], vector<16xf32>,
    %mul3A_749 = arith.constant 5.000000e-01 : f32
    %mul3A_750 = vector.broadcast %mul3A_749 : f32 to vector<16xf32>
    %mul3A_751 = arith.mulf %get3A_738, %mul3A_750 : vector<16xf32>
    %bitcast3A_752 = vector.bitcast %get3A_738 : vector<16xf32> to vector<16xi32>
    %shift_right_arithmetic3A_753 = arith.constant 1 : i32
    %shift_right_arithmetic3A_754 = vector.broadcast %shift_right_arithmetic3A_753 : i32 to vector<16xi32>
    %shift_right_arithmetic3A_755 = arith.shrsi %bitcast3A_752, %shift_right_arithmetic3A_754 : vector<16xi32>
    %sub3A_756 = arith.constant 1597463007 : i32
    %sub3A_757 = vector.broadcast %sub3A_756 : i32 to vector<16xi32>
    %sub3A_758 = arith.subi %sub3A_757, %shift_right_arithmetic3A_755 : vector<16xi32>
    %bitcast3A_759 = vector.bitcast %sub3A_758 : vector<16xi32> to vector<16xf32>
    %mul3A_760 = arith.mulf %mul3A_751, %bitcast3A_759 : vector<16xf32>
    %mul3A_761 = arith.mulf %mul3A_760, %bitcast3A_759 : vector<16xf32>
    %sub3A_762 = arith.constant 1.500000e+00 : f32
    %sub3A_763 = vector.broadcast %sub3A_762 : f32 to vector<16xf32>
    %sub3A_764 = arith.subf %sub3A_763, %mul3A_761 : vector<16xf32>
    %mul3A_765 = arith.mulf %bitcast3A_759, %sub3A_764 : vector<16xf32>
    %mul3A_766 = arith.mulf %mul3A_751, %mul3A_765 : vector<16xf32>
    %mul3A_767 = arith.mulf %mul3A_766, %mul3A_765 : vector<16xf32>
    %sub3A_768 = arith.constant 1.500000e+00 : f32
    %sub3A_769 = vector.broadcast %sub3A_768 : f32 to vector<16xf32>
    %sub3A_770 = arith.subf %sub3A_769, %mul3A_767 : vector<16xf32>
    %mul3A_771 = arith.mulf %mul3A_765, %sub3A_770 : vector<16xf32>
    %mul3A_772 = arith.mulf %mul3A_751, %mul3A_771 : vector<16xf32>
    %mul3A_773 = arith.mulf %mul3A_772, %mul3A_771 : vector<16xf32>
    %sub3A_774 = arith.constant 1.500000e+00 : f32
    %sub3A_775 = vector.broadcast %sub3A_774 : f32 to vector<16xf32>
    %sub3A_776 = arith.subf %sub3A_775, %mul3A_773 : vector<16xf32>
    %mul3A_777 = arith.mulf %mul3A_771, %sub3A_776 : vector<16xf32>
    %mul3A_778 = arith.mulf %get3A_738, %mul3A_777 : vector<16xf32>
    %mul3A_779 = arith.mulf %gather3A_747, %mul3A_778 : vector<16xf32>
    %add3A_780 = arith.addf %mul3A_779, %gather3A_748 : vector<16xf32>
    %swap3A_781 = arith.constant 256 : index
    %swap3A_782 = tpu.vector_load %arg9[%swap3A_781] {strides = array<i32>} : memref<512xf32, #tpu.memory_space<vmem>>, vector<16xf32>,
    tpu.vector_store %arg9[%swap3A_781], %add3A_780 {strides = array<i32>} : memref<512xf32, #tpu.memory_space<vmem>>, vector<16xf32>,
    %get3A_783 = arith.constant 272 : index
    %get3A_784 = tpu.vector_load %arg7[%get3A_783] {strides = array<i32>} : memref<512xf32, #tpu.memory_space<vmem>>, vector<16xf32>,
    %get3A_785 = arith.constant 272 : index
    %get3A_786 = tpu.vector_load %arg8[%get3A_785] {strides = array<i32>} : memref<512xi32, #tpu.memory_space<vmem>>, vector<16xi32>,
    %max3A_787 = arith.constant 0 : i32
    %max3A_788 = vector.broadcast %max3A_787 : i32 to vector<16xi32>
    %max3A_789 = arith.maxsi %get3A_786, %max3A_788 : vector<16xi32>
    %min3A_790 = arith.constant 6 : i32
    %min3A_791 = vector.broadcast %min3A_790 : i32 to vector<16xi32>
    %min3A_792 = arith.minsi %max3A_789, %min3A_791 : vector<16xi32>
    %gather3A_793 = tpu.vector_load_idx %arg10[%min3A_792] : memref<16xf32, #tpu.memory_space<vmem>>[vector<16xi32>], vector<16xf32>,
    %gather3A_794 = tpu.vector_load_idx %arg11[%min3A_792] : memref<16xf32, #tpu.memory_space<vmem>>[vector<16xi32>], vector<16xf32>,
    %mul3A_795 = arith.constant 5.000000e-01 : f32
    %mul3A_796 = vector.broadcast %mul3A_795 : f32 to vector<16xf32>
    %mul3A_797 = arith.mulf %get3A_784, %mul3A_796 : vector<16xf32>
    %bitcast3A_798 = vector.bitcast %get3A_784 : vector<16xf32> to vector<16xi32>
    %shift_right_arithmetic3A_799 = arith.constant 1 : i32
    %shift_right_arithmetic3A_800 = vector.broadcast %shift_right_arithmetic3A_799 : i32 to vector<16xi32>
    %shift_right_arithmetic3A_801 = arith.shrsi %bitcast3A_798, %shift_right_arithmetic3A_800 : vector<16xi32>
    %sub3A_802 = arith.constant 1597463007 : i32
    %sub3A_803 = vector.broadcast %sub3A_802 : i32 to vector<16xi32>
    %sub3A_804 = arith.subi %sub3A_803, %shift_right_arithmetic3A_801 : vector<16xi32>
    %bitcast3A_805 = vector.bitcast %sub3A_804 : vector<16xi32> to vector<16xf32>
    %mul3A_806 = arith.mulf %mul3A_797, %bitcast3A_805 : vector<16xf32>
    %mul3A_807 = arith.mulf %mul3A_806, %bitcast3A_805 : vector<16xf32>
    %sub3A_808 = arith.constant 1.500000e+00 : f32
    %sub3A_809 = vector.broadcast %sub3A_808 : f32 to vector<16xf32>
    %sub3A_810 = arith.subf %sub3A_809, %mul3A_807 : vector<16xf32>
    %mul3A_811 = arith.mulf %bitcast3A_805, %sub3A_810 : vector<16xf32>
    %mul3A_812 = arith.mulf %mul3A_797, %mul3A_811 : vector<16xf32>
    %mul3A_813 = arith.mulf %mul3A_812, %mul3A_811 : vector<16xf32>
    %sub3A_814 = arith.constant 1.500000e+00 : f32
    %sub3A_815 = vector.broadcast %sub3A_814 : f32 to vector<16xf32>
    %sub3A_816 = arith.subf %sub3A_815, %mul3A_813 : vector<16xf32>
    %mul3A_817 = arith.mulf %mul3A_811, %sub3A_816 : vector<16xf32>
    %mul3A_818 = arith.mulf %mul3A_797, %mul3A_817 : vector<16xf32>
    %mul3A_819 = arith.mulf %mul3A_818, %mul3A_817 : vector<16xf32>
    %sub3A_820 = arith.constant 1.500000e+00 : f32
    %sub3A_821 = vector.broadcast %sub3A_820 : f32 to vector<16xf32>
    %sub3A_822 = arith.subf %sub3A_821, %mul3A_819 : vector<16xf32>
    %mul3A_823 = arith.mulf %mul3A_817, %sub3A_822 : vector<16xf32>
    %mul3A_824 = arith.mulf %get3A_784, %mul3A_823 : vector<16xf32>
    %mul3A_825 = arith.mulf %gather3A_793, %mul3A_824 : vector<16xf32>
    %add3A_826 = arith.addf %mul3A_825, %gather3A_794 : vector<16xf32>
    %swap3A_827 = arith.constant 272 : index
    %swap3A_828 = tpu.vector_load %arg9[%swap3A_827] {strides = array<i32>} : memref<512xf32, #tpu.memory_space<vmem>>, vector<16xf32>,
    tpu.vector_store %arg9[%swap3A_827], %add3A_826 {strides = array<i32>} : memref<512xf32, #tpu.memory_space<vmem>>, vector<16xf32>,
    %get3A_829 = arith.constant 288 : index
    %get3A_830 = tpu.vector_load %arg7[%get3A_829] {strides = array<i32>} : memref<512xf32, #tpu.memory_space<vmem>>, vector<16xf32>,
    %get3A_831 = arith.constant 288 : index
    %get3A_832 = tpu.vector_load %arg8[%get3A_831] {strides = array<i32>} : memref<512xi32, #tpu.memory_space<vmem>>, vector<16xi32>,
    %max3A_833 = arith.constant 0 : i32
    %max3A_834 = vector.broadcast %max3A_833 : i32 to vector<16xi32>
    %max3A_835 = arith.maxsi %get3A_832, %max3A_834 : vector<16xi32>
    %min3A_836 = arith.constant 6 : i32
    %min3A_837 = vector.broadcast %min3A_836 : i32 to vector<16xi32>
    %min3A_838 = arith.minsi %max3A_835, %min3A_837 : vector<16xi32>
    %gather3A_839 = tpu.vector_load_idx %arg10[%min3A_838] : memref<16xf32, #tpu.memory_space<vmem>>[vector<16xi32>], vector<16xf32>,
    %gather3A_840 = tpu.vector_load_idx %arg11[%min3A_838] : memref<16xf32, #tpu.memory_space<vmem>>[vector<16xi32>], vector<16xf32>,
    %mul3A_841 = arith.constant 5.000000e-01 : f32
    %mul3A_842 = vector.broadcast %mul3A_841 : f32 to vector<16xf32>
    %mul3A_843 = arith.mulf %get3A_830, %mul3A_842 : vector<16xf32>
    %bitcast3A_844 = vector.bitcast %get3A_830 : vector<16xf32> to vector<16xi32>
    %shift_right_arithmetic3A_845 = arith.constant 1 : i32
    %shift_right_arithmetic3A_846 = vector.broadcast %shift_right_arithmetic3A_845 : i32 to vector<16xi32>
    %shift_right_arithmetic3A_847 = arith.shrsi %bitcast3A_844, %shift_right_arithmetic3A_846 : vector<16xi32>
    %sub3A_848 = arith.constant 1597463007 : i32
    %sub3A_849 = vector.broadcast %sub3A_848 : i32 to vector<16xi32>
    %sub3A_850 = arith.subi %sub3A_849, %shift_right_arithmetic3A_847 : vector<16xi32>
    %bitcast3A_851 = vector.bitcast %sub3A_850 : vector<16xi32> to vector<16xf32>
    %mul3A_852 = arith.mulf %mul3A_843, %bitcast3A_851 : vector<16xf32>
    %mul3A_853 = arith.mulf %mul3A_852, %bitcast3A_851 : vector<16xf32>
    %sub3A_854 = arith.constant 1.500000e+00 : f32
    %sub3A_855 = vector.broadcast %sub3A_854 : f32 to vector<16xf32>
    %sub3A_856 = arith.subf %sub3A_855, %mul3A_853 : vector<16xf32>
    %mul3A_857 = arith.mulf %bitcast3A_851, %sub3A_856 : vector<16xf32>
    %mul3A_858 = arith.mulf %mul3A_843, %mul3A_857 : vector<16xf32>
    %mul3A_859 = arith.mulf %mul3A_858, %mul3A_857 : vector<16xf32>
    %sub3A_860 = arith.constant 1.500000e+00 : f32
    %sub3A_861 = vector.broadcast %sub3A_860 : f32 to vector<16xf32>
    %sub3A_862 = arith.subf %sub3A_861, %mul3A_859 : vector<16xf32>
    %mul3A_863 = arith.mulf %mul3A_857, %sub3A_862 : vector<16xf32>
    %mul3A_864 = arith.mulf %mul3A_843, %mul3A_863 : vector<16xf32>
    %mul3A_865 = arith.mulf %mul3A_864, %mul3A_863 : vector<16xf32>
    %sub3A_866 = arith.constant 1.500000e+00 : f32
    %sub3A_867 = vector.broadcast %sub3A_866 : f32 to vector<16xf32>
    %sub3A_868 = arith.subf %sub3A_867, %mul3A_865 : vector<16xf32>
    %mul3A_869 = arith.mulf %mul3A_863, %sub3A_868 : vector<16xf32>
    %mul3A_870 = arith.mulf %get3A_830, %mul3A_869 : vector<16xf32>
    %mul3A_871 = arith.mulf %gather3A_839, %mul3A_870 : vector<16xf32>
    %add3A_872 = arith.addf %mul3A_871, %gather3A_840 : vector<16xf32>
    %swap3A_873 = arith.constant 288 : index
    %swap3A_874 = tpu.vector_load %arg9[%swap3A_873] {strides = array<i32>} : memref<512xf32, #tpu.memory_space<vmem>>, vector<16xf32>,
    tpu.vector_store %arg9[%swap3A_873], %add3A_872 {strides = array<i32>} : memref<512xf32, #tpu.memory_space<vmem>>, vector<16xf32>,
    %get3A_875 = arith.constant 304 : index
    %get3A_876 = tpu.vector_load %arg7[%get3A_875] {strides = array<i32>} : memref<512xf32, #tpu.memory_space<vmem>>, vector<16xf32>,
    %get3A_877 = arith.constant 304 : index
    %get3A_878 = tpu.vector_load %arg8[%get3A_877] {strides = array<i32>} : memref<512xi32, #tpu.memory_space<vmem>>, vector<16xi32>,
    %max3A_879 = arith.constant 0 : i32
    %max3A_880 = vector.broadcast %max3A_879 : i32 to vector<16xi32>
    %max3A_881 = arith.maxsi %get3A_878, %max3A_880 : vector<16xi32>
    %min3A_882 = arith.constant 6 : i32
    %min3A_883 = vector.broadcast %min3A_882 : i32 to vector<16xi32>
    %min3A_884 = arith.minsi %max3A_881, %min3A_883 : vector<16xi32>
    %gather3A_885 = tpu.vector_load_idx %arg10[%min3A_884] : memref<16xf32, #tpu.memory_space<vmem>>[vector<16xi32>], vector<16xf32>,
    %gather3A_886 = tpu.vector_load_idx %arg11[%min3A_884] : memref<16xf32, #tpu.memory_space<vmem>>[vector<16xi32>], vector<16xf32>,
    %mul3A_887 = arith.constant 5.000000e-01 : f32
    %mul3A_888 = vector.broadcast %mul3A_887 : f32 to vector<16xf32>
    %mul3A_889 = arith.mulf %get3A_876, %mul3A_888 : vector<16xf32>
    %bitcast3A_890 = vector.bitcast %get3A_876 : vector<16xf32> to vector<16xi32>
    %shift_right_arithmetic3A_891 = arith.constant 1 : i32
    %shift_right_arithmetic3A_892 = vector.broadcast %shift_right_arithmetic3A_891 : i32 to vector<16xi32>
    %shift_right_arithmetic3A_893 = arith.shrsi %bitcast3A_890, %shift_right_arithmetic3A_892 : vector<16xi32>
    %sub3A_894 = arith.constant 1597463007 : i32
    %sub3A_895 = vector.broadcast %sub3A_894 : i32 to vector<16xi32>
    %sub3A_896 = arith.subi %sub3A_895, %shift_right_arithmetic3A_893 : vector<16xi32>
    %bitcast3A_897 = vector.bitcast %sub3A_896 : vector<16xi32> to vector<16xf32>
    %mul3A_898 = arith.mulf %mul3A_889, %bitcast3A_897 : vector<16xf32>
    %mul3A_899 = arith.mulf %mul3A_898, %bitcast3A_897 : vector<16xf32>
    %sub3A_900 = arith.constant 1.500000e+00 : f32
    %sub3A_901 = vector.broadcast %sub3A_900 : f32 to vector<16xf32>
    %sub3A_902 = arith.subf %sub3A_901, %mul3A_899 : vector<16xf32>
    %mul3A_903 = arith.mulf %bitcast3A_897, %sub3A_902 : vector<16xf32>
    %mul3A_904 = arith.mulf %mul3A_889, %mul3A_903 : vector<16xf32>
    %mul3A_905 = arith.mulf %mul3A_904, %mul3A_903 : vector<16xf32>
    %sub3A_906 = arith.constant 1.500000e+00 : f32
    %sub3A_907 = vector.broadcast %sub3A_906 : f32 to vector<16xf32>
    %sub3A_908 = arith.subf %sub3A_907, %mul3A_905 : vector<16xf32>
    %mul3A_909 = arith.mulf %mul3A_903, %sub3A_908 : vector<16xf32>
    %mul3A_910 = arith.mulf %mul3A_889, %mul3A_909 : vector<16xf32>
    %mul3A_911 = arith.mulf %mul3A_910, %mul3A_909 : vector<16xf32>
    %sub3A_912 = arith.constant 1.500000e+00 : f32
    %sub3A_913 = vector.broadcast %sub3A_912 : f32 to vector<16xf32>
    %sub3A_914 = arith.subf %sub3A_913, %mul3A_911 : vector<16xf32>
    %mul3A_915 = arith.mulf %mul3A_909, %sub3A_914 : vector<16xf32>
    %mul3A_916 = arith.mulf %get3A_876, %mul3A_915 : vector<16xf32>
    %mul3A_917 = arith.mulf %gather3A_885, %mul3A_916 : vector<16xf32>
    %add3A_918 = arith.addf %mul3A_917, %gather3A_886 : vector<16xf32>
    %swap3A_919 = arith.constant 304 : index
    %swap3A_920 = tpu.vector_load %arg9[%swap3A_919] {strides = array<i32>} : memref<512xf32, #tpu.memory_space<vmem>>, vector<16xf32>,
    tpu.vector_store %arg9[%swap3A_919], %add3A_918 {strides = array<i32>} : memref<512xf32, #tpu.memory_space<vmem>>, vector<16xf32>,
    %get3A_921 = arith.constant 320 : index
    %get3A_922 = tpu.vector_load %arg7[%get3A_921] {strides = array<i32>} : memref<512xf32, #tpu.memory_space<vmem>>, vector<16xf32>,
    %get3A_923 = arith.constant 320 : index
    %get3A_924 = tpu.vector_load %arg8[%get3A_923] {strides = array<i32>} : memref<512xi32, #tpu.memory_space<vmem>>, vector<16xi32>,
    %max3A_925 = arith.constant 0 : i32
    %max3A_926 = vector.broadcast %max3A_925 : i32 to vector<16xi32>
    %max3A_927 = arith.maxsi %get3A_924, %max3A_926 : vector<16xi32>
    %min3A_928 = arith.constant 6 : i32
    %min3A_929 = vector.broadcast %min3A_928 : i32 to vector<16xi32>
    %min3A_930 = arith.minsi %max3A_927, %min3A_929 : vector<16xi32>
    %gather3A_931 = tpu.vector_load_idx %arg10[%min3A_930] : memref<16xf32, #tpu.memory_space<vmem>>[vector<16xi32>], vector<16xf32>,
    %gather3A_932 = tpu.vector_load_idx %arg11[%min3A_930] : memref<16xf32, #tpu.memory_space<vmem>>[vector<16xi32>], vector<16xf32>,
    %mul3A_933 = arith.constant 5.000000e-01 : f32
    %mul3A_934 = vector.broadcast %mul3A_933 : f32 to vector<16xf32>
    %mul3A_935 = arith.mulf %get3A_922, %mul3A_934 : vector<16xf32>
    %bitcast3A_936 = vector.bitcast %get3A_922 : vector<16xf32> to vector<16xi32>
    %shift_right_arithmetic3A_937 = arith.constant 1 : i32
    %shift_right_arithmetic3A_938 = vector.broadcast %shift_right_arithmetic3A_937 : i32 to vector<16xi32>
    %shift_right_arithmetic3A_939 = arith.shrsi %bitcast3A_936, %shift_right_arithmetic3A_938 : vector<16xi32>
    %sub3A_940 = arith.constant 1597463007 : i32
    %sub3A_941 = vector.broadcast %sub3A_940 : i32 to vector<16xi32>
    %sub3A_942 = arith.subi %sub3A_941, %shift_right_arithmetic3A_939 : vector<16xi32>
    %bitcast3A_943 = vector.bitcast %sub3A_942 : vector<16xi32> to vector<16xf32>
    %mul3A_944 = arith.mulf %mul3A_935, %bitcast3A_943 : vector<16xf32>
    %mul3A_945 = arith.mulf %mul3A_944, %bitcast3A_943 : vector<16xf32>
    %sub3A_946 = arith.constant 1.500000e+00 : f32
    %sub3A_947 = vector.broadcast %sub3A_946 : f32 to vector<16xf32>
    %sub3A_948 = arith.subf %sub3A_947, %mul3A_945 : vector<16xf32>
    %mul3A_949 = arith.mulf %bitcast3A_943, %sub3A_948 : vector<16xf32>
    %mul3A_950 = arith.mulf %mul3A_935, %mul3A_949 : vector<16xf32>
    %mul3A_951 = arith.mulf %mul3A_950, %mul3A_949 : vector<16xf32>
    %sub3A_952 = arith.constant 1.500000e+00 : f32
    %sub3A_953 = vector.broadcast %sub3A_952 : f32 to vector<16xf32>
    %sub3A_954 = arith.subf %sub3A_953, %mul3A_951 : vector<16xf32>
    %mul3A_955 = arith.mulf %mul3A_949, %sub3A_954 : vector<16xf32>
    %mul3A_956 = arith.mulf %mul3A_935, %mul3A_955 : vector<16xf32>
    %mul3A_957 = arith.mulf %mul3A_956, %mul3A_955 : vector<16xf32>
    %sub3A_958 = arith.constant 1.500000e+00 : f32
    %sub3A_959 = vector.broadcast %sub3A_958 : f32 to vector<16xf32>
    %sub3A_960 = arith.subf %sub3A_959, %mul3A_957 : vector<16xf32>
    %mul3A_961 = arith.mulf %mul3A_955, %sub3A_960 : vector<16xf32>
    %mul3A_962 = arith.mulf %get3A_922, %mul3A_961 : vector<16xf32>
    %mul3A_963 = arith.mulf %gather3A_931, %mul3A_962 : vector<16xf32>
    %add3A_964 = arith.addf %mul3A_963, %gather3A_932 : vector<16xf32>
    %swap3A_965 = arith.constant 320 : index
    %swap3A_966 = tpu.vector_load %arg9[%swap3A_965] {strides = array<i32>} : memref<512xf32, #tpu.memory_space<vmem>>, vector<16xf32>,
    tpu.vector_store %arg9[%swap3A_965], %add3A_964 {strides = array<i32>} : memref<512xf32, #tpu.memory_space<vmem>>, vector<16xf32>,
    %get3A_967 = arith.constant 336 : index
    %get3A_968 = tpu.vector_load %arg7[%get3A_967] {strides = array<i32>} : memref<512xf32, #tpu.memory_space<vmem>>, vector<16xf32>,
    %get3A_969 = arith.constant 336 : index
    %get3A_970 = tpu.vector_load %arg8[%get3A_969] {strides = array<i32>} : memref<512xi32, #tpu.memory_space<vmem>>, vector<16xi32>,
    %max3A_971 = arith.constant 0 : i32
    %max3A_972 = vector.broadcast %max3A_971 : i32 to vector<16xi32>
    %max3A_973 = arith.maxsi %get3A_970, %max3A_972 : vector<16xi32>
    %min3A_974 = arith.constant 6 : i32
    %min3A_975 = vector.broadcast %min3A_974 : i32 to vector<16xi32>
    %min3A_976 = arith.minsi %max3A_973, %min3A_975 : vector<16xi32>
    %gather3A_977 = tpu.vector_load_idx %arg10[%min3A_976] : memref<16xf32, #tpu.memory_space<vmem>>[vector<16xi32>], vector<16xf32>,
    %gather3A_978 = tpu.vector_load_idx %arg11[%min3A_976] : memref<16xf32, #tpu.memory_space<vmem>>[vector<16xi32>], vector<16xf32>,
    %mul3A_979 = arith.constant 5.000000e-01 : f32
    %mul3A_980 = vector.broadcast %mul3A_979 : f32 to vector<16xf32>
    %mul3A_981 = arith.mulf %get3A_968, %mul3A_980 : vector<16xf32>
    %bitcast3A_982 = vector.bitcast %get3A_968 : vector<16xf32> to vector<16xi32>
    %shift_right_arithmetic3A_983 = arith.constant 1 : i32
    %shift_right_arithmetic3A_984 = vector.broadcast %shift_right_arithmetic3A_983 : i32 to vector<16xi32>
    %shift_right_arithmetic3A_985 = arith.shrsi %bitcast3A_982, %shift_right_arithmetic3A_984 : vector<16xi32>
    %sub3A_986 = arith.constant 1597463007 : i32
    %sub3A_987 = vector.broadcast %sub3A_986 : i32 to vector<16xi32>
    %sub3A_988 = arith.subi %sub3A_987, %shift_right_arithmetic3A_985 : vector<16xi32>
    %bitcast3A_989 = vector.bitcast %sub3A_988 : vector<16xi32> to vector<16xf32>
    %mul3A_990 = arith.mulf %mul3A_981, %bitcast3A_989 : vector<16xf32>
    %mul3A_991 = arith.mulf %mul3A_990, %bitcast3A_989 : vector<16xf32>
    %sub3A_992 = arith.constant 1.500000e+00 : f32
    %sub3A_993 = vector.broadcast %sub3A_992 : f32 to vector<16xf32>
    %sub3A_994 = arith.subf %sub3A_993, %mul3A_991 : vector<16xf32>
    %mul3A_995 = arith.mulf %bitcast3A_989, %sub3A_994 : vector<16xf32>
    %mul3A_996 = arith.mulf %mul3A_981, %mul3A_995 : vector<16xf32>
    %mul3A_997 = arith.mulf %mul3A_996, %mul3A_995 : vector<16xf32>
    %sub3A_998 = arith.constant 1.500000e+00 : f32
    %sub3A_999 = vector.broadcast %sub3A_998 : f32 to vector<16xf32>
    %sub3A_1000 = arith.subf %sub3A_999, %mul3A_997 : vector<16xf32>
    %mul3A_1001 = arith.mulf %mul3A_995, %sub3A_1000 : vector<16xf32>
    %mul3A_1002 = arith.mulf %mul3A_981, %mul3A_1001 : vector<16xf32>
    %mul3A_1003 = arith.mulf %mul3A_1002, %mul3A_1001 : vector<16xf32>
    %sub3A_1004 = arith.constant 1.500000e+00 : f32
    %sub3A_1005 = vector.broadcast %sub3A_1004 : f32 to vector<16xf32>
    %sub3A_1006 = arith.subf %sub3A_1005, %mul3A_1003 : vector<16xf32>
    %mul3A_1007 = arith.mulf %mul3A_1001, %sub3A_1006 : vector<16xf32>
    %mul3A_1008 = arith.mulf %get3A_968, %mul3A_1007 : vector<16xf32>
    %mul3A_1009 = arith.mulf %gather3A_977, %mul3A_1008 : vector<16xf32>
    %add3A_1010 = arith.addf %mul3A_1009, %gather3A_978 : vector<16xf32>
    %swap3A_1011 = arith.constant 336 : index
    %swap3A_1012 = tpu.vector_load %arg9[%swap3A_1011] {strides = array<i32>} : memref<512xf32, #tpu.memory_space<vmem>>, vector<16xf32>,
    tpu.vector_store %arg9[%swap3A_1011], %add3A_1010 {strides = array<i32>} : memref<512xf32, #tpu.memory_space<vmem>>, vector<16xf32>,
    %get3A_1013 = arith.constant 352 : index
    %get3A_1014 = tpu.vector_load %arg7[%get3A_1013] {strides = array<i32>} : memref<512xf32, #tpu.memory_space<vmem>>, vector<16xf32>,
    %get3A_1015 = arith.constant 352 : index
    %get3A_1016 = tpu.vector_load %arg8[%get3A_1015] {strides = array<i32>} : memref<512xi32, #tpu.memory_space<vmem>>, vector<16xi32>,
    %max3A_1017 = arith.constant 0 : i32
    %max3A_1018 = vector.broadcast %max3A_1017 : i32 to vector<16xi32>
    %max3A_1019 = arith.maxsi %get3A_1016, %max3A_1018 : vector<16xi32>
    %min3A_1020 = arith.constant 6 : i32
    %min3A_1021 = vector.broadcast %min3A_1020 : i32 to vector<16xi32>
    %min3A_1022 = arith.minsi %max3A_1019, %min3A_1021 : vector<16xi32>
    %gather3A_1023 = tpu.vector_load_idx %arg10[%min3A_1022] : memref<16xf32, #tpu.memory_space<vmem>>[vector<16xi32>], vector<16xf32>,
    %gather3A_1024 = tpu.vector_load_idx %arg11[%min3A_1022] : memref<16xf32, #tpu.memory_space<vmem>>[vector<16xi32>], vector<16xf32>,
    %mul3A_1025 = arith.constant 5.000000e-01 : f32
    %mul3A_1026 = vector.broadcast %mul3A_1025 : f32 to vector<16xf32>
    %mul3A_1027 = arith.mulf %get3A_1014, %mul3A_1026 : vector<16xf32>
    %bitcast3A_1028 = vector.bitcast %get3A_1014 : vector<16xf32> to vector<16xi32>
    %shift_right_arithmetic3A_1029 = arith.constant 1 : i32
    %shift_right_arithmetic3A_1030 = vector.broadcast %shift_right_arithmetic3A_1029 : i32 to vector<16xi32>
    %shift_right_arithmetic3A_1031 = arith.shrsi %bitcast3A_1028, %shift_right_arithmetic3A_1030 : vector<16xi32>
    %sub3A_1032 = arith.constant 1597463007 : i32
    %sub3A_1033 = vector.broadcast %sub3A_1032 : i32 to vector<16xi32>
    %sub3A_1034 = arith.subi %sub3A_1033, %shift_right_arithmetic3A_1031 : vector<16xi32>
    %bitcast3A_1035 = vector.bitcast %sub3A_1034 : vector<16xi32> to vector<16xf32>
    %mul3A_1036 = arith.mulf %mul3A_1027, %bitcast3A_1035 : vector<16xf32>
    %mul3A_1037 = arith.mulf %mul3A_1036, %bitcast3A_1035 : vector<16xf32>
    %sub3A_1038 = arith.constant 1.500000e+00 : f32
    %sub3A_1039 = vector.broadcast %sub3A_1038 : f32 to vector<16xf32>
    %sub3A_1040 = arith.subf %sub3A_1039, %mul3A_1037 : vector<16xf32>
    %mul3A_1041 = arith.mulf %bitcast3A_1035, %sub3A_1040 : vector<16xf32>
    %mul3A_1042 = arith.mulf %mul3A_1027, %mul3A_1041 : vector<16xf32>
    %mul3A_1043 = arith.mulf %mul3A_1042, %mul3A_1041 : vector<16xf32>
    %sub3A_1044 = arith.constant 1.500000e+00 : f32
    %sub3A_1045 = vector.broadcast %sub3A_1044 : f32 to vector<16xf32>
    %sub3A_1046 = arith.subf %sub3A_1045, %mul3A_1043 : vector<16xf32>
    %mul3A_1047 = arith.mulf %mul3A_1041, %sub3A_1046 : vector<16xf32>
    %mul3A_1048 = arith.mulf %mul3A_1027, %mul3A_1047 : vector<16xf32>
    %mul3A_1049 = arith.mulf %mul3A_1048, %mul3A_1047 : vector<16xf32>
    %sub3A_1050 = arith.constant 1.500000e+00 : f32
    %sub3A_1051 = vector.broadcast %sub3A_1050 : f32 to vector<16xf32>
    %sub3A_1052 = arith.subf %sub3A_1051, %mul3A_1049 : vector<16xf32>
    %mul3A_1053 = arith.mulf %mul3A_1047, %sub3A_1052 : vector<16xf32>
    %mul3A_1054 = arith.mulf %get3A_1014, %mul3A_1053 : vector<16xf32>
    %mul3A_1055 = arith.mulf %gather3A_1023, %mul3A_1054 : vector<16xf32>
    %add3A_1056 = arith.addf %mul3A_1055, %gather3A_1024 : vector<16xf32>
    %swap3A_1057 = arith.constant 352 : index
    %swap3A_1058 = tpu.vector_load %arg9[%swap3A_1057] {strides = array<i32>} : memref<512xf32, #tpu.memory_space<vmem>>, vector<16xf32>,
    tpu.vector_store %arg9[%swap3A_1057], %add3A_1056 {strides = array<i32>} : memref<512xf32, #tpu.memory_space<vmem>>, vector<16xf32>,
    %get3A_1059 = arith.constant 368 : index
    %get3A_1060 = tpu.vector_load %arg7[%get3A_1059] {strides = array<i32>} : memref<512xf32, #tpu.memory_space<vmem>>, vector<16xf32>,
    %get3A_1061 = arith.constant 368 : index
    %get3A_1062 = tpu.vector_load %arg8[%get3A_1061] {strides = array<i32>} : memref<512xi32, #tpu.memory_space<vmem>>, vector<16xi32>,
    %max3A_1063 = arith.constant 0 : i32
    %max3A_1064 = vector.broadcast %max3A_1063 : i32 to vector<16xi32>
    %max3A_1065 = arith.maxsi %get3A_1062, %max3A_1064 : vector<16xi32>
    %min3A_1066 = arith.constant 6 : i32
    %min3A_1067 = vector.broadcast %min3A_1066 : i32 to vector<16xi32>
    %min3A_1068 = arith.minsi %max3A_1065, %min3A_1067 : vector<16xi32>
    %gather3A_1069 = tpu.vector_load_idx %arg10[%min3A_1068] : memref<16xf32, #tpu.memory_space<vmem>>[vector<16xi32>], vector<16xf32>,
    %gather3A_1070 = tpu.vector_load_idx %arg11[%min3A_1068] : memref<16xf32, #tpu.memory_space<vmem>>[vector<16xi32>], vector<16xf32>,
    %mul3A_1071 = arith.constant 5.000000e-01 : f32
    %mul3A_1072 = vector.broadcast %mul3A_1071 : f32 to vector<16xf32>
    %mul3A_1073 = arith.mulf %get3A_1060, %mul3A_1072 : vector<16xf32>
    %bitcast3A_1074 = vector.bitcast %get3A_1060 : vector<16xf32> to vector<16xi32>
    %shift_right_arithmetic3A_1075 = arith.constant 1 : i32
    %shift_right_arithmetic3A_1076 = vector.broadcast %shift_right_arithmetic3A_1075 : i32 to vector<16xi32>
    %shift_right_arithmetic3A_1077 = arith.shrsi %bitcast3A_1074, %shift_right_arithmetic3A_1076 : vector<16xi32>
    %sub3A_1078 = arith.constant 1597463007 : i32
    %sub3A_1079 = vector.broadcast %sub3A_1078 : i32 to vector<16xi32>
    %sub3A_1080 = arith.subi %sub3A_1079, %shift_right_arithmetic3A_1077 : vector<16xi32>
    %bitcast3A_1081 = vector.bitcast %sub3A_1080 : vector<16xi32> to vector<16xf32>
    %mul3A_1082 = arith.mulf %mul3A_1073, %bitcast3A_1081 : vector<16xf32>
    %mul3A_1083 = arith.mulf %mul3A_1082, %bitcast3A_1081 : vector<16xf32>
    %sub3A_1084 = arith.constant 1.500000e+00 : f32
    %sub3A_1085 = vector.broadcast %sub3A_1084 : f32 to vector<16xf32>
    %sub3A_1086 = arith.subf %sub3A_1085, %mul3A_1083 : vector<16xf32>
    %mul3A_1087 = arith.mulf %bitcast3A_1081, %sub3A_1086 : vector<16xf32>
    %mul3A_1088 = arith.mulf %mul3A_1073, %mul3A_1087 : vector<16xf32>
    %mul3A_1089 = arith.mulf %mul3A_1088, %mul3A_1087 : vector<16xf32>
    %sub3A_1090 = arith.constant 1.500000e+00 : f32
    %sub3A_1091 = vector.broadcast %sub3A_1090 : f32 to vector<16xf32>
    %sub3A_1092 = arith.subf %sub3A_1091, %mul3A_1089 : vector<16xf32>
    %mul3A_1093 = arith.mulf %mul3A_1087, %sub3A_1092 : vector<16xf32>
    %mul3A_1094 = arith.mulf %mul3A_1073, %mul3A_1093 : vector<16xf32>
    %mul3A_1095 = arith.mulf %mul3A_1094, %mul3A_1093 : vector<16xf32>
    %sub3A_1096 = arith.constant 1.500000e+00 : f32
    %sub3A_1097 = vector.broadcast %sub3A_1096 : f32 to vector<16xf32>
    %sub3A_1098 = arith.subf %sub3A_1097, %mul3A_1095 : vector<16xf32>
    %mul3A_1099 = arith.mulf %mul3A_1093, %sub3A_1098 : vector<16xf32>
    %mul3A_1100 = arith.mulf %get3A_1060, %mul3A_1099 : vector<16xf32>
    %mul3A_1101 = arith.mulf %gather3A_1069, %mul3A_1100 : vector<16xf32>
    %add3A_1102 = arith.addf %mul3A_1101, %gather3A_1070 : vector<16xf32>
    %swap3A_1103 = arith.constant 368 : index
    %swap3A_1104 = tpu.vector_load %arg9[%swap3A_1103] {strides = array<i32>} : memref<512xf32, #tpu.memory_space<vmem>>, vector<16xf32>,
    tpu.vector_store %arg9[%swap3A_1103], %add3A_1102 {strides = array<i32>} : memref<512xf32, #tpu.memory_space<vmem>>, vector<16xf32>,
    %get3A_1105 = arith.constant 384 : index
    %get3A_1106 = tpu.vector_load %arg7[%get3A_1105] {strides = array<i32>} : memref<512xf32, #tpu.memory_space<vmem>>, vector<16xf32>,
    %get3A_1107 = arith.constant 384 : index
    %get3A_1108 = tpu.vector_load %arg8[%get3A_1107] {strides = array<i32>} : memref<512xi32, #tpu.memory_space<vmem>>, vector<16xi32>,
    %max3A_1109 = arith.constant 0 : i32
    %max3A_1110 = vector.broadcast %max3A_1109 : i32 to vector<16xi32>
    %max3A_1111 = arith.maxsi %get3A_1108, %max3A_1110 : vector<16xi32>
    %min3A_1112 = arith.constant 6 : i32
    %min3A_1113 = vector.broadcast %min3A_1112 : i32 to vector<16xi32>
    %min3A_1114 = arith.minsi %max3A_1111, %min3A_1113 : vector<16xi32>
    %gather3A_1115 = tpu.vector_load_idx %arg10[%min3A_1114] : memref<16xf32, #tpu.memory_space<vmem>>[vector<16xi32>], vector<16xf32>,
    %gather3A_1116 = tpu.vector_load_idx %arg11[%min3A_1114] : memref<16xf32, #tpu.memory_space<vmem>>[vector<16xi32>], vector<16xf32>,
    %mul3A_1117 = arith.constant 5.000000e-01 : f32
    %mul3A_1118 = vector.broadcast %mul3A_1117 : f32 to vector<16xf32>
    %mul3A_1119 = arith.mulf %get3A_1106, %mul3A_1118 : vector<16xf32>
    %bitcast3A_1120 = vector.bitcast %get3A_1106 : vector<16xf32> to vector<16xi32>
    %shift_right_arithmetic3A_1121 = arith.constant 1 : i32
    %shift_right_arithmetic3A_1122 = vector.broadcast %shift_right_arithmetic3A_1121 : i32 to vector<16xi32>
    %shift_right_arithmetic3A_1123 = arith.shrsi %bitcast3A_1120, %shift_right_arithmetic3A_1122 : vector<16xi32>
    %sub3A_1124 = arith.constant 1597463007 : i32
    %sub3A_1125 = vector.broadcast %sub3A_1124 : i32 to vector<16xi32>
    %sub3A_1126 = arith.subi %sub3A_1125, %shift_right_arithmetic3A_1123 : vector<16xi32>
    %bitcast3A_1127 = vector.bitcast %sub3A_1126 : vector<16xi32> to vector<16xf32>
    %mul3A_1128 = arith.mulf %mul3A_1119, %bitcast3A_1127 : vector<16xf32>
    %mul3A_1129 = arith.mulf %mul3A_1128, %bitcast3A_1127 : vector<16xf32>
    %sub3A_1130 = arith.constant 1.500000e+00 : f32
    %sub3A_1131 = vector.broadcast %sub3A_1130 : f32 to vector<16xf32>
    %sub3A_1132 = arith.subf %sub3A_1131, %mul3A_1129 : vector<16xf32>
    %mul3A_1133 = arith.mulf %bitcast3A_1127, %sub3A_1132 : vector<16xf32>
    %mul3A_1134 = arith.mulf %mul3A_1119, %mul3A_1133 : vector<16xf32>
    %mul3A_1135 = arith.mulf %mul3A_1134, %mul3A_1133 : vector<16xf32>
    %sub3A_1136 = arith.constant 1.500000e+00 : f32
    %sub3A_1137 = vector.broadcast %sub3A_1136 : f32 to vector<16xf32>
    %sub3A_1138 = arith.subf %sub3A_1137, %mul3A_1135 : vector<16xf32>
    %mul3A_1139 = arith.mulf %mul3A_1133, %sub3A_1138 : vector<16xf32>
    %mul3A_1140 = arith.mulf %mul3A_1119, %mul3A_1139 : vector<16xf32>
    %mul3A_1141 = arith.mulf %mul3A_1140, %mul3A_1139 : vector<16xf32>
    %sub3A_1142 = arith.constant 1.500000e+00 : f32
    %sub3A_1143 = vector.broadcast %sub3A_1142 : f32 to vector<16xf32>
    %sub3A_1144 = arith.subf %sub3A_1143, %mul3A_1141 : vector<16xf32>
    %mul3A_1145 = arith.mulf %mul3A_1139, %sub3A_1144 : vector<16xf32>
    %mul3A_1146 = arith.mulf %get3A_1106, %mul3A_1145 : vector<16xf32>
    %mul3A_1147 = arith.mulf %gather3A_1115, %mul3A_1146 : vector<16xf32>
    %add3A_1148 = arith.addf %mul3A_1147, %gather3A_1116 : vector<16xf32>
    %swap3A_1149 = arith.constant 384 : index
    %swap3A_1150 = tpu.vector_load %arg9[%swap3A_1149] {strides = array<i32>} : memref<512xf32, #tpu.memory_space<vmem>>, vector<16xf32>,
    tpu.vector_store %arg9[%swap3A_1149], %add3A_1148 {strides = array<i32>} : memref<512xf32, #tpu.memory_space<vmem>>, vector<16xf32>,
    %get3A_1151 = arith.constant 400 : index
    %get3A_1152 = tpu.vector_load %arg7[%get3A_1151] {strides = array<i32>} : memref<512xf32, #tpu.memory_space<vmem>>, vector<16xf32>,
    %get3A_1153 = arith.constant 400 : index
    %get3A_1154 = tpu.vector_load %arg8[%get3A_1153] {strides = array<i32>} : memref<512xi32, #tpu.memory_space<vmem>>, vector<16xi32>,
    %max3A_1155 = arith.constant 0 : i32
    %max3A_1156 = vector.broadcast %max3A_1155 : i32 to vector<16xi32>
    %max3A_1157 = arith.maxsi %get3A_1154, %max3A_1156 : vector<16xi32>
    %min3A_1158 = arith.constant 6 : i32
    %min3A_1159 = vector.broadcast %min3A_1158 : i32 to vector<16xi32>
    %min3A_1160 = arith.minsi %max3A_1157, %min3A_1159 : vector<16xi32>
    %gather3A_1161 = tpu.vector_load_idx %arg10[%min3A_1160] : memref<16xf32, #tpu.memory_space<vmem>>[vector<16xi32>], vector<16xf32>,
    %gather3A_1162 = tpu.vector_load_idx %arg11[%min3A_1160] : memref<16xf32, #tpu.memory_space<vmem>>[vector<16xi32>], vector<16xf32>,
    %mul3A_1163 = arith.constant 5.000000e-01 : f32
    %mul3A_1164 = vector.broadcast %mul3A_1163 : f32 to vector<16xf32>
    %mul3A_1165 = arith.mulf %get3A_1152, %mul3A_1164 : vector<16xf32>
    %bitcast3A_1166 = vector.bitcast %get3A_1152 : vector<16xf32> to vector<16xi32>
    %shift_right_arithmetic3A_1167 = arith.constant 1 : i32
    %shift_right_arithmetic3A_1168 = vector.broadcast %shift_right_arithmetic3A_1167 : i32 to vector<16xi32>
    %shift_right_arithmetic3A_1169 = arith.shrsi %bitcast3A_1166, %shift_right_arithmetic3A_1168 : vector<16xi32>
    %sub3A_1170 = arith.constant 1597463007 : i32
    %sub3A_1171 = vector.broadcast %sub3A_1170 : i32 to vector<16xi32>
    %sub3A_1172 = arith.subi %sub3A_1171, %shift_right_arithmetic3A_1169 : vector<16xi32>
    %bitcast3A_1173 = vector.bitcast %sub3A_1172 : vector<16xi32> to vector<16xf32>
    %mul3A_1174 = arith.mulf %mul3A_1165, %bitcast3A_1173 : vector<16xf32>
    %mul3A_1175 = arith.mulf %mul3A_1174, %bitcast3A_1173 : vector<16xf32>
    %sub3A_1176 = arith.constant 1.500000e+00 : f32
    %sub3A_1177 = vector.broadcast %sub3A_1176 : f32 to vector<16xf32>
    %sub3A_1178 = arith.subf %sub3A_1177, %mul3A_1175 : vector<16xf32>
    %mul3A_1179 = arith.mulf %bitcast3A_1173, %sub3A_1178 : vector<16xf32>
    %mul3A_1180 = arith.mulf %mul3A_1165, %mul3A_1179 : vector<16xf32>
    %mul3A_1181 = arith.mulf %mul3A_1180, %mul3A_1179 : vector<16xf32>
    %sub3A_1182 = arith.constant 1.500000e+00 : f32
    %sub3A_1183 = vector.broadcast %sub3A_1182 : f32 to vector<16xf32>
    %sub3A_1184 = arith.subf %sub3A_1183, %mul3A_1181 : vector<16xf32>
    %mul3A_1185 = arith.mulf %mul3A_1179, %sub3A_1184 : vector<16xf32>
    %mul3A_1186 = arith.mulf %mul3A_1165, %mul3A_1185 : vector<16xf32>
    %mul3A_1187 = arith.mulf %mul3A_1186, %mul3A_1185 : vector<16xf32>
    %sub3A_1188 = arith.constant 1.500000e+00 : f32
    %sub3A_1189 = vector.broadcast %sub3A_1188 : f32 to vector<16xf32>
    %sub3A_1190 = arith.subf %sub3A_1189, %mul3A_1187 : vector<16xf32>
    %mul3A_1191 = arith.mulf %mul3A_1185, %sub3A_1190 : vector<16xf32>
    %mul3A_1192 = arith.mulf %get3A_1152, %mul3A_1191 : vector<16xf32>
    %mul3A_1193 = arith.mulf %gather3A_1161, %mul3A_1192 : vector<16xf32>
    %add3A_1194 = arith.addf %mul3A_1193, %gather3A_1162 : vector<16xf32>
    %swap3A_1195 = arith.constant 400 : index
    %swap3A_1196 = tpu.vector_load %arg9[%swap3A_1195] {strides = array<i32>} : memref<512xf32, #tpu.memory_space<vmem>>, vector<16xf32>,
    tpu.vector_store %arg9[%swap3A_1195], %add3A_1194 {strides = array<i32>} : memref<512xf32, #tpu.memory_space<vmem>>, vector<16xf32>,
    %get3A_1197 = arith.constant 416 : index
    %get3A_1198 = tpu.vector_load %arg7[%get3A_1197] {strides = array<i32>} : memref<512xf32, #tpu.memory_space<vmem>>, vector<16xf32>,
    %get3A_1199 = arith.constant 416 : index
    %get3A_1200 = tpu.vector_load %arg8[%get3A_1199] {strides = array<i32>} : memref<512xi32, #tpu.memory_space<vmem>>, vector<16xi32>,
    %max3A_1201 = arith.constant 0 : i32
    %max3A_1202 = vector.broadcast %max3A_1201 : i32 to vector<16xi32>
    %max3A_1203 = arith.maxsi %get3A_1200, %max3A_1202 : vector<16xi32>
    %min3A_1204 = arith.constant 6 : i32
    %min3A_1205 = vector.broadcast %min3A_1204 : i32 to vector<16xi32>
    %min3A_1206 = arith.minsi %max3A_1203, %min3A_1205 : vector<16xi32>
    %gather3A_1207 = tpu.vector_load_idx %arg10[%min3A_1206] : memref<16xf32, #tpu.memory_space<vmem>>[vector<16xi32>], vector<16xf32>,
    %gather3A_1208 = tpu.vector_load_idx %arg11[%min3A_1206] : memref<16xf32, #tpu.memory_space<vmem>>[vector<16xi32>], vector<16xf32>,
    %mul3A_1209 = arith.constant 5.000000e-01 : f32
    %mul3A_1210 = vector.broadcast %mul3A_1209 : f32 to vector<16xf32>
    %mul3A_1211 = arith.mulf %get3A_1198, %mul3A_1210 : vector<16xf32>
    %bitcast3A_1212 = vector.bitcast %get3A_1198 : vector<16xf32> to vector<16xi32>
    %shift_right_arithmetic3A_1213 = arith.constant 1 : i32
    %shift_right_arithmetic3A_1214 = vector.broadcast %shift_right_arithmetic3A_1213 : i32 to vector<16xi32>
    %shift_right_arithmetic3A_1215 = arith.shrsi %bitcast3A_1212, %shift_right_arithmetic3A_1214 : vector<16xi32>
    %sub3A_1216 = arith.constant 1597463007 : i32
    %sub3A_1217 = vector.broadcast %sub3A_1216 : i32 to vector<16xi32>
    %sub3A_1218 = arith.subi %sub3A_1217, %shift_right_arithmetic3A_1215 : vector<16xi32>
    %bitcast3A_1219 = vector.bitcast %sub3A_1218 : vector<16xi32> to vector<16xf32>
    %mul3A_1220 = arith.mulf %mul3A_1211, %bitcast3A_1219 : vector<16xf32>
    %mul3A_1221 = arith.mulf %mul3A_1220, %bitcast3A_1219 : vector<16xf32>
    %sub3A_1222 = arith.constant 1.500000e+00 : f32
    %sub3A_1223 = vector.broadcast %sub3A_1222 : f32 to vector<16xf32>
    %sub3A_1224 = arith.subf %sub3A_1223, %mul3A_1221 : vector<16xf32>
    %mul3A_1225 = arith.mulf %bitcast3A_1219, %sub3A_1224 : vector<16xf32>
    %mul3A_1226 = arith.mulf %mul3A_1211, %mul3A_1225 : vector<16xf32>
    %mul3A_1227 = arith.mulf %mul3A_1226, %mul3A_1225 : vector<16xf32>
    %sub3A_1228 = arith.constant 1.500000e+00 : f32
    %sub3A_1229 = vector.broadcast %sub3A_1228 : f32 to vector<16xf32>
    %sub3A_1230 = arith.subf %sub3A_1229, %mul3A_1227 : vector<16xf32>
    %mul3A_1231 = arith.mulf %mul3A_1225, %sub3A_1230 : vector<16xf32>
    %mul3A_1232 = arith.mulf %mul3A_1211, %mul3A_1231 : vector<16xf32>
    %mul3A_1233 = arith.mulf %mul3A_1232, %mul3A_1231 : vector<16xf32>
    %sub3A_1234 = arith.constant 1.500000e+00 : f32
    %sub3A_1235 = vector.broadcast %sub3A_1234 : f32 to vector<16xf32>
    %sub3A_1236 = arith.subf %sub3A_1235, %mul3A_1233 : vector<16xf32>
    %mul3A_1237 = arith.mulf %mul3A_1231, %sub3A_1236 : vector<16xf32>
    %mul3A_1238 = arith.mulf %get3A_1198, %mul3A_1237 : vector<16xf32>
    %mul3A_1239 = arith.mulf %gather3A_1207, %mul3A_1238 : vector<16xf32>
    %add3A_1240 = arith.addf %mul3A_1239, %gather3A_1208 : vector<16xf32>
    %swap3A_1241 = arith.constant 416 : index
    %swap3A_1242 = tpu.vector_load %arg9[%swap3A_1241] {strides = array<i32>} : memref<512xf32, #tpu.memory_space<vmem>>, vector<16xf32>,
    tpu.vector_store %arg9[%swap3A_1241], %add3A_1240 {strides = array<i32>} : memref<512xf32, #tpu.memory_space<vmem>>, vector<16xf32>,
    %get3A_1243 = arith.constant 432 : index
    %get3A_1244 = tpu.vector_load %arg7[%get3A_1243] {strides = array<i32>} : memref<512xf32, #tpu.memory_space<vmem>>, vector<16xf32>,
    %get3A_1245 = arith.constant 432 : index
    %get3A_1246 = tpu.vector_load %arg8[%get3A_1245] {strides = array<i32>} : memref<512xi32, #tpu.memory_space<vmem>>, vector<16xi32>,
    %max3A_1247 = arith.constant 0 : i32
    %max3A_1248 = vector.broadcast %max3A_1247 : i32 to vector<16xi32>
    %max3A_1249 = arith.maxsi %get3A_1246, %max3A_1248 : vector<16xi32>
    %min3A_1250 = arith.constant 6 : i32
    %min3A_1251 = vector.broadcast %min3A_1250 : i32 to vector<16xi32>
    %min3A_1252 = arith.minsi %max3A_1249, %min3A_1251 : vector<16xi32>
    %gather3A_1253 = tpu.vector_load_idx %arg10[%min3A_1252] : memref<16xf32, #tpu.memory_space<vmem>>[vector<16xi32>], vector<16xf32>,
    %gather3A_1254 = tpu.vector_load_idx %arg11[%min3A_1252] : memref<16xf32, #tpu.memory_space<vmem>>[vector<16xi32>], vector<16xf32>,
    %mul3A_1255 = arith.constant 5.000000e-01 : f32
    %mul3A_1256 = vector.broadcast %mul3A_1255 : f32 to vector<16xf32>
    %mul3A_1257 = arith.mulf %get3A_1244, %mul3A_1256 : vector<16xf32>
    %bitcast3A_1258 = vector.bitcast %get3A_1244 : vector<16xf32> to vector<16xi32>
    %shift_right_arithmetic3A_1259 = arith.constant 1 : i32
    %shift_right_arithmetic3A_1260 = vector.broadcast %shift_right_arithmetic3A_1259 : i32 to vector<16xi32>
    %shift_right_arithmetic3A_1261 = arith.shrsi %bitcast3A_1258, %shift_right_arithmetic3A_1260 : vector<16xi32>
    %sub3A_1262 = arith.constant 1597463007 : i32
    %sub3A_1263 = vector.broadcast %sub3A_1262 : i32 to vector<16xi32>
    %sub3A_1264 = arith.subi %sub3A_1263, %shift_right_arithmetic3A_1261 : vector<16xi32>
    %bitcast3A_1265 = vector.bitcast %sub3A_1264 : vector<16xi32> to vector<16xf32>
    %mul3A_1266 = arith.mulf %mul3A_1257, %bitcast3A_1265 : vector<16xf32>
    %mul3A_1267 = arith.mulf %mul3A_1266, %bitcast3A_1265 : vector<16xf32>
    %sub3A_1268 = arith.constant 1.500000e+00 : f32
    %sub3A_1269 = vector.broadcast %sub3A_1268 : f32 to vector<16xf32>
    %sub3A_1270 = arith.subf %sub3A_1269, %mul3A_1267 : vector<16xf32>
    %mul3A_1271 = arith.mulf %bitcast3A_1265, %sub3A_1270 : vector<16xf32>
    %mul3A_1272 = arith.mulf %mul3A_1257, %mul3A_1271 : vector<16xf32>
    %mul3A_1273 = arith.mulf %mul3A_1272, %mul3A_1271 : vector<16xf32>
    %sub3A_1274 = arith.constant 1.500000e+00 : f32
    %sub3A_1275 = vector.broadcast %sub3A_1274 : f32 to vector<16xf32>
    %sub3A_1276 = arith.subf %sub3A_1275, %mul3A_1273 : vector<16xf32>
    %mul3A_1277 = arith.mulf %mul3A_1271, %sub3A_1276 : vector<16xf32>
    %mul3A_1278 = arith.mulf %mul3A_1257, %mul3A_1277 : vector<16xf32>
    %mul3A_1279 = arith.mulf %mul3A_1278, %mul3A_1277 : vector<16xf32>
    %sub3A_1280 = arith.constant 1.500000e+00 : f32
    %sub3A_1281 = vector.broadcast %sub3A_1280 : f32 to vector<16xf32>
    %sub3A_1282 = arith.subf %sub3A_1281, %mul3A_1279 : vector<16xf32>
    %mul3A_1283 = arith.mulf %mul3A_1277, %sub3A_1282 : vector<16xf32>
    %mul3A_1284 = arith.mulf %get3A_1244, %mul3A_1283 : vector<16xf32>
    %mul3A_1285 = arith.mulf %gather3A_1253, %mul3A_1284 : vector<16xf32>
    %add3A_1286 = arith.addf %mul3A_1285, %gather3A_1254 : vector<16xf32>
    %swap3A_1287 = arith.constant 432 : index
    %swap3A_1288 = tpu.vector_load %arg9[%swap3A_1287] {strides = array<i32>} : memref<512xf32, #tpu.memory_space<vmem>>, vector<16xf32>,
    tpu.vector_store %arg9[%swap3A_1287], %add3A_1286 {strides = array<i32>} : memref<512xf32, #tpu.memory_space<vmem>>, vector<16xf32>,
    %get3A_1289 = arith.constant 448 : index
    %get3A_1290 = tpu.vector_load %arg7[%get3A_1289] {strides = array<i32>} : memref<512xf32, #tpu.memory_space<vmem>>, vector<16xf32>,
    %get3A_1291 = arith.constant 448 : index
    %get3A_1292 = tpu.vector_load %arg8[%get3A_1291] {strides = array<i32>} : memref<512xi32, #tpu.memory_space<vmem>>, vector<16xi32>,
    %max3A_1293 = arith.constant 0 : i32
    %max3A_1294 = vector.broadcast %max3A_1293 : i32 to vector<16xi32>
    %max3A_1295 = arith.maxsi %get3A_1292, %max3A_1294 : vector<16xi32>
    %min3A_1296 = arith.constant 6 : i32
    %min3A_1297 = vector.broadcast %min3A_1296 : i32 to vector<16xi32>
    %min3A_1298 = arith.minsi %max3A_1295, %min3A_1297 : vector<16xi32>
    %gather3A_1299 = tpu.vector_load_idx %arg10[%min3A_1298] : memref<16xf32, #tpu.memory_space<vmem>>[vector<16xi32>], vector<16xf32>,
    %gather3A_1300 = tpu.vector_load_idx %arg11[%min3A_1298] : memref<16xf32, #tpu.memory_space<vmem>>[vector<16xi32>], vector<16xf32>,
    %mul3A_1301 = arith.constant 5.000000e-01 : f32
    %mul3A_1302 = vector.broadcast %mul3A_1301 : f32 to vector<16xf32>
    %mul3A_1303 = arith.mulf %get3A_1290, %mul3A_1302 : vector<16xf32>
    %bitcast3A_1304 = vector.bitcast %get3A_1290 : vector<16xf32> to vector<16xi32>
    %shift_right_arithmetic3A_1305 = arith.constant 1 : i32
    %shift_right_arithmetic3A_1306 = vector.broadcast %shift_right_arithmetic3A_1305 : i32 to vector<16xi32>
    %shift_right_arithmetic3A_1307 = arith.shrsi %bitcast3A_1304, %shift_right_arithmetic3A_1306 : vector<16xi32>
    %sub3A_1308 = arith.constant 1597463007 : i32
    %sub3A_1309 = vector.broadcast %sub3A_1308 : i32 to vector<16xi32>
    %sub3A_1310 = arith.subi %sub3A_1309, %shift_right_arithmetic3A_1307 : vector<16xi32>
    %bitcast3A_1311 = vector.bitcast %sub3A_1310 : vector<16xi32> to vector<16xf32>
    %mul3A_1312 = arith.mulf %mul3A_1303, %bitcast3A_1311 : vector<16xf32>
    %mul3A_1313 = arith.mulf %mul3A_1312, %bitcast3A_1311 : vector<16xf32>
    %sub3A_1314 = arith.constant 1.500000e+00 : f32
    %sub3A_1315 = vector.broadcast %sub3A_1314 : f32 to vector<16xf32>
    %sub3A_1316 = arith.subf %sub3A_1315, %mul3A_1313 : vector<16xf32>
    %mul3A_1317 = arith.mulf %bitcast3A_1311, %sub3A_1316 : vector<16xf32>
    %mul3A_1318 = arith.mulf %mul3A_1303, %mul3A_1317 : vector<16xf32>
    %mul3A_1319 = arith.mulf %mul3A_1318, %mul3A_1317 : vector<16xf32>
    %sub3A_1320 = arith.constant 1.500000e+00 : f32
    %sub3A_1321 = vector.broadcast %sub3A_1320 : f32 to vector<16xf32>
    %sub3A_1322 = arith.subf %sub3A_1321, %mul3A_1319 : vector<16xf32>
    %mul3A_1323 = arith.mulf %mul3A_1317, %sub3A_1322 : vector<16xf32>
    %mul3A_1324 = arith.mulf %mul3A_1303, %mul3A_1323 : vector<16xf32>
    %mul3A_1325 = arith.mulf %mul3A_1324, %mul3A_1323 : vector<16xf32>
    %sub3A_1326 = arith.constant 1.500000e+00 : f32
    %sub3A_1327 = vector.broadcast %sub3A_1326 : f32 to vector<16xf32>
    %sub3A_1328 = arith.subf %sub3A_1327, %mul3A_1325 : vector<16xf32>
    %mul3A_1329 = arith.mulf %mul3A_1323, %sub3A_1328 : vector<16xf32>
    %mul3A_1330 = arith.mulf %get3A_1290, %mul3A_1329 : vector<16xf32>
    %mul3A_1331 = arith.mulf %gather3A_1299, %mul3A_1330 : vector<16xf32>
    %add3A_1332 = arith.addf %mul3A_1331, %gather3A_1300 : vector<16xf32>
    %swap3A_1333 = arith.constant 448 : index
    %swap3A_1334 = tpu.vector_load %arg9[%swap3A_1333] {strides = array<i32>} : memref<512xf32, #tpu.memory_space<vmem>>, vector<16xf32>,
    tpu.vector_store %arg9[%swap3A_1333], %add3A_1332 {strides = array<i32>} : memref<512xf32, #tpu.memory_space<vmem>>, vector<16xf32>,
    %get3A_1335 = arith.constant 464 : index
    %get3A_1336 = tpu.vector_load %arg7[%get3A_1335] {strides = array<i32>} : memref<512xf32, #tpu.memory_space<vmem>>, vector<16xf32>,
    %get3A_1337 = arith.constant 464 : index
    %get3A_1338 = tpu.vector_load %arg8[%get3A_1337] {strides = array<i32>} : memref<512xi32, #tpu.memory_space<vmem>>, vector<16xi32>,
    %max3A_1339 = arith.constant 0 : i32
    %max3A_1340 = vector.broadcast %max3A_1339 : i32 to vector<16xi32>
    %max3A_1341 = arith.maxsi %get3A_1338, %max3A_1340 : vector<16xi32>
    %min3A_1342 = arith.constant 6 : i32
    %min3A_1343 = vector.broadcast %min3A_1342 : i32 to vector<16xi32>
    %min3A_1344 = arith.minsi %max3A_1341, %min3A_1343 : vector<16xi32>
    %gather3A_1345 = tpu.vector_load_idx %arg10[%min3A_1344] : memref<16xf32, #tpu.memory_space<vmem>>[vector<16xi32>], vector<16xf32>,
    %gather3A_1346 = tpu.vector_load_idx %arg11[%min3A_1344] : memref<16xf32, #tpu.memory_space<vmem>>[vector<16xi32>], vector<16xf32>,
    %mul3A_1347 = arith.constant 5.000000e-01 : f32
    %mul3A_1348 = vector.broadcast %mul3A_1347 : f32 to vector<16xf32>
    %mul3A_1349 = arith.mulf %get3A_1336, %mul3A_1348 : vector<16xf32>
    %bitcast3A_1350 = vector.bitcast %get3A_1336 : vector<16xf32> to vector<16xi32>
    %shift_right_arithmetic3A_1351 = arith.constant 1 : i32
    %shift_right_arithmetic3A_1352 = vector.broadcast %shift_right_arithmetic3A_1351 : i32 to vector<16xi32>
    %shift_right_arithmetic3A_1353 = arith.shrsi %bitcast3A_1350, %shift_right_arithmetic3A_1352 : vector<16xi32>
    %sub3A_1354 = arith.constant 1597463007 : i32
    %sub3A_1355 = vector.broadcast %sub3A_1354 : i32 to vector<16xi32>
    %sub3A_1356 = arith.subi %sub3A_1355, %shift_right_arithmetic3A_1353 : vector<16xi32>
    %bitcast3A_1357 = vector.bitcast %sub3A_1356 : vector<16xi32> to vector<16xf32>
    %mul3A_1358 = arith.mulf %mul3A_1349, %bitcast3A_1357 : vector<16xf32>
    %mul3A_1359 = arith.mulf %mul3A_1358, %bitcast3A_1357 : vector<16xf32>
    %sub3A_1360 = arith.constant 1.500000e+00 : f32
    %sub3A_1361 = vector.broadcast %sub3A_1360 : f32 to vector<16xf32>
    %sub3A_1362 = arith.subf %sub3A_1361, %mul3A_1359 : vector<16xf32>
    %mul3A_1363 = arith.mulf %bitcast3A_1357, %sub3A_1362 : vector<16xf32>
    %mul3A_1364 = arith.mulf %mul3A_1349, %mul3A_1363 : vector<16xf32>
    %mul3A_1365 = arith.mulf %mul3A_1364, %mul3A_1363 : vector<16xf32>
    %sub3A_1366 = arith.constant 1.500000e+00 : f32
    %sub3A_1367 = vector.broadcast %sub3A_1366 : f32 to vector<16xf32>
    %sub3A_1368 = arith.subf %sub3A_1367, %mul3A_1365 : vector<16xf32>
    %mul3A_1369 = arith.mulf %mul3A_1363, %sub3A_1368 : vector<16xf32>
    %mul3A_1370 = arith.mulf %mul3A_1349, %mul3A_1369 : vector<16xf32>
    %mul3A_1371 = arith.mulf %mul3A_1370, %mul3A_1369 : vector<16xf32>
    %sub3A_1372 = arith.constant 1.500000e+00 : f32
    %sub3A_1373 = vector.broadcast %sub3A_1372 : f32 to vector<16xf32>
    %sub3A_1374 = arith.subf %sub3A_1373, %mul3A_1371 : vector<16xf32>
    %mul3A_1375 = arith.mulf %mul3A_1369, %sub3A_1374 : vector<16xf32>
    %mul3A_1376 = arith.mulf %get3A_1336, %mul3A_1375 : vector<16xf32>
    %mul3A_1377 = arith.mulf %gather3A_1345, %mul3A_1376 : vector<16xf32>
    %add3A_1378 = arith.addf %mul3A_1377, %gather3A_1346 : vector<16xf32>
    %swap3A_1379 = arith.constant 464 : index
    %swap3A_1380 = tpu.vector_load %arg9[%swap3A_1379] {strides = array<i32>} : memref<512xf32, #tpu.memory_space<vmem>>, vector<16xf32>,
    tpu.vector_store %arg9[%swap3A_1379], %add3A_1378 {strides = array<i32>} : memref<512xf32, #tpu.memory_space<vmem>>, vector<16xf32>,
    %get3A_1381 = arith.constant 480 : index
    %get3A_1382 = tpu.vector_load %arg7[%get3A_1381] {strides = array<i32>} : memref<512xf32, #tpu.memory_space<vmem>>, vector<16xf32>,
    %get3A_1383 = arith.constant 480 : index
    %get3A_1384 = tpu.vector_load %arg8[%get3A_1383] {strides = array<i32>} : memref<512xi32, #tpu.memory_space<vmem>>, vector<16xi32>,
    %max3A_1385 = arith.constant 0 : i32
    %max3A_1386 = vector.broadcast %max3A_1385 : i32 to vector<16xi32>
    %max3A_1387 = arith.maxsi %get3A_1384, %max3A_1386 : vector<16xi32>
    %min3A_1388 = arith.constant 6 : i32
    %min3A_1389 = vector.broadcast %min3A_1388 : i32 to vector<16xi32>
    %min3A_1390 = arith.minsi %max3A_1387, %min3A_1389 : vector<16xi32>
    %gather3A_1391 = tpu.vector_load_idx %arg10[%min3A_1390] : memref<16xf32, #tpu.memory_space<vmem>>[vector<16xi32>], vector<16xf32>,
    %gather3A_1392 = tpu.vector_load_idx %arg11[%min3A_1390] : memref<16xf32, #tpu.memory_space<vmem>>[vector<16xi32>], vector<16xf32>,
    %mul3A_1393 = arith.constant 5.000000e-01 : f32
    %mul3A_1394 = vector.broadcast %mul3A_1393 : f32 to vector<16xf32>
    %mul3A_1395 = arith.mulf %get3A_1382, %mul3A_1394 : vector<16xf32>
    %bitcast3A_1396 = vector.bitcast %get3A_1382 : vector<16xf32> to vector<16xi32>
    %shift_right_arithmetic3A_1397 = arith.constant 1 : i32
    %shift_right_arithmetic3A_1398 = vector.broadcast %shift_right_arithmetic3A_1397 : i32 to vector<16xi32>
    %shift_right_arithmetic3A_1399 = arith.shrsi %bitcast3A_1396, %shift_right_arithmetic3A_1398 : vector<16xi32>
    %sub3A_1400 = arith.constant 1597463007 : i32
    %sub3A_1401 = vector.broadcast %sub3A_1400 : i32 to vector<16xi32>
    %sub3A_1402 = arith.subi %sub3A_1401, %shift_right_arithmetic3A_1399 : vector<16xi32>
    %bitcast3A_1403 = vector.bitcast %sub3A_1402 : vector<16xi32> to vector<16xf32>
    %mul3A_1404 = arith.mulf %mul3A_1395, %bitcast3A_1403 : vector<16xf32>
    %mul3A_1405 = arith.mulf %mul3A_1404, %bitcast3A_1403 : vector<16xf32>
    %sub3A_1406 = arith.constant 1.500000e+00 : f32
    %sub3A_1407 = vector.broadcast %sub3A_1406 : f32 to vector<16xf32>
    %sub3A_1408 = arith.subf %sub3A_1407, %mul3A_1405 : vector<16xf32>
    %mul3A_1409 = arith.mulf %bitcast3A_1403, %sub3A_1408 : vector<16xf32>
    %mul3A_1410 = arith.mulf %mul3A_1395, %mul3A_1409 : vector<16xf32>
    %mul3A_1411 = arith.mulf %mul3A_1410, %mul3A_1409 : vector<16xf32>
    %sub3A_1412 = arith.constant 1.500000e+00 : f32
    %sub3A_1413 = vector.broadcast %sub3A_1412 : f32 to vector<16xf32>
    %sub3A_1414 = arith.subf %sub3A_1413, %mul3A_1411 : vector<16xf32>
    %mul3A_1415 = arith.mulf %mul3A_1409, %sub3A_1414 : vector<16xf32>
    %mul3A_1416 = arith.mulf %mul3A_1395, %mul3A_1415 : vector<16xf32>
    %mul3A_1417 = arith.mulf %mul3A_1416, %mul3A_1415 : vector<16xf32>
    %sub3A_1418 = arith.constant 1.500000e+00 : f32
    %sub3A_1419 = vector.broadcast %sub3A_1418 : f32 to vector<16xf32>
    %sub3A_1420 = arith.subf %sub3A_1419, %mul3A_1417 : vector<16xf32>
    %mul3A_1421 = arith.mulf %mul3A_1415, %sub3A_1420 : vector<16xf32>
    %mul3A_1422 = arith.mulf %get3A_1382, %mul3A_1421 : vector<16xf32>
    %mul3A_1423 = arith.mulf %gather3A_1391, %mul3A_1422 : vector<16xf32>
    %add3A_1424 = arith.addf %mul3A_1423, %gather3A_1392 : vector<16xf32>
    %swap3A_1425 = arith.constant 480 : index
    %swap3A_1426 = tpu.vector_load %arg9[%swap3A_1425] {strides = array<i32>} : memref<512xf32, #tpu.memory_space<vmem>>, vector<16xf32>,
    tpu.vector_store %arg9[%swap3A_1425], %add3A_1424 {strides = array<i32>} : memref<512xf32, #tpu.memory_space<vmem>>, vector<16xf32>,
    %get3A_1427 = arith.constant 496 : index
    %get3A_1428 = tpu.vector_load %arg7[%get3A_1427] {strides = array<i32>} : memref<512xf32, #tpu.memory_space<vmem>>, vector<16xf32>,
    %get3A_1429 = arith.constant 496 : index
    %get3A_1430 = tpu.vector_load %arg8[%get3A_1429] {strides = array<i32>} : memref<512xi32, #tpu.memory_space<vmem>>, vector<16xi32>,
    %max3A_1431 = arith.constant 0 : i32
    %max3A_1432 = vector.broadcast %max3A_1431 : i32 to vector<16xi32>
    %max3A_1433 = arith.maxsi %get3A_1430, %max3A_1432 : vector<16xi32>
    %min3A_1434 = arith.constant 6 : i32
    %min3A_1435 = vector.broadcast %min3A_1434 : i32 to vector<16xi32>
    %min3A_1436 = arith.minsi %max3A_1433, %min3A_1435 : vector<16xi32>
    %gather3A_1437 = tpu.vector_load_idx %arg10[%min3A_1436] : memref<16xf32, #tpu.memory_space<vmem>>[vector<16xi32>], vector<16xf32>,
    %gather3A_1438 = tpu.vector_load_idx %arg11[%min3A_1436] : memref<16xf32, #tpu.memory_space<vmem>>[vector<16xi32>], vector<16xf32>,
    %mul3A_1439 = arith.constant 5.000000e-01 : f32
    %mul3A_1440 = vector.broadcast %mul3A_1439 : f32 to vector<16xf32>
    %mul3A_1441 = arith.mulf %get3A_1428, %mul3A_1440 : vector<16xf32>
    %bitcast3A_1442 = vector.bitcast %get3A_1428 : vector<16xf32> to vector<16xi32>
    %shift_right_arithmetic3A_1443 = arith.constant 1 : i32
    %shift_right_arithmetic3A_1444 = vector.broadcast %shift_right_arithmetic3A_1443 : i32 to vector<16xi32>
    %shift_right_arithmetic3A_1445 = arith.shrsi %bitcast3A_1442, %shift_right_arithmetic3A_1444 : vector<16xi32>
    %sub3A_1446 = arith.constant 1597463007 : i32
    %sub3A_1447 = vector.broadcast %sub3A_1446 : i32 to vector<16xi32>
    %sub3A_1448 = arith.subi %sub3A_1447, %shift_right_arithmetic3A_1445 : vector<16xi32>
    %bitcast3A_1449 = vector.bitcast %sub3A_1448 : vector<16xi32> to vector<16xf32>
    %mul3A_1450 = arith.mulf %mul3A_1441, %bitcast3A_1449 : vector<16xf32>
    %mul3A_1451 = arith.mulf %mul3A_1450, %bitcast3A_1449 : vector<16xf32>
    %sub3A_1452 = arith.constant 1.500000e+00 : f32
    %sub3A_1453 = vector.broadcast %sub3A_1452 : f32 to vector<16xf32>
    %sub3A_1454 = arith.subf %sub3A_1453, %mul3A_1451 : vector<16xf32>
    %mul3A_1455 = arith.mulf %bitcast3A_1449, %sub3A_1454 : vector<16xf32>
    %mul3A_1456 = arith.mulf %mul3A_1441, %mul3A_1455 : vector<16xf32>
    %mul3A_1457 = arith.mulf %mul3A_1456, %mul3A_1455 : vector<16xf32>
    %sub3A_1458 = arith.constant 1.500000e+00 : f32
    %sub3A_1459 = vector.broadcast %sub3A_1458 : f32 to vector<16xf32>
    %sub3A_1460 = arith.subf %sub3A_1459, %mul3A_1457 : vector<16xf32>
    %mul3A_1461 = arith.mulf %mul3A_1455, %sub3A_1460 : vector<16xf32>
    %mul3A_1462 = arith.mulf %mul3A_1441, %mul3A_1461 : vector<16xf32>
    %mul3A_1463 = arith.mulf %mul3A_1462, %mul3A_1461 : vector<16xf32>
    %sub3A_1464 = arith.constant 1.500000e+00 : f32
    %sub3A_1465 = vector.broadcast %sub3A_1464 : f32 to vector<16xf32>
    %sub3A_1466 = arith.subf %sub3A_1465, %mul3A_1463 : vector<16xf32>
    %mul3A_1467 = arith.mulf %mul3A_1461, %sub3A_1466 : vector<16xf32>
    %mul3A_1468 = arith.mulf %get3A_1428, %mul3A_1467 : vector<16xf32>
    %mul3A_1469 = arith.mulf %gather3A_1437, %mul3A_1468 : vector<16xf32>
    %add3A_1470 = arith.addf %mul3A_1469, %gather3A_1438 : vector<16xf32>
    %swap3A_1471 = arith.constant 496 : index
    %swap3A_1472 = tpu.vector_load %arg9[%swap3A_1471] {strides = array<i32>} : memref<512xf32, #tpu.memory_space<vmem>>, vector<16xf32>,
    tpu.vector_store %arg9[%swap3A_1471], %add3A_1470 {strides = array<i32>} : memref<512xf32, #tpu.memory_space<vmem>>, vector<16xf32>,
    "tpu.region"() ({
      %run_scoped3A = tpu.sem_alloc : memref<!tpu.dma_semaphore, #tpu.memory_space<semaphore_mem>>
      %dma_start3A_1473 = tpu.memref_slice %arg6[%mul3A_2] : memref<16384xf32, #tpu.memory_space<hbm>> -> memref<512xf32, #tpu.memory_space<hbm>>
      %dma_start3A_1474 = tpu.memref_slice %arg6[%mul3A_2] : memref<16384xf32, #tpu.memory_space<hbm>> -> memref<512xf32, #tpu.memory_space<hbm>>
      tpu.enqueue_dma source(%arg9 : memref<512xf32, #tpu.memory_space<vmem>>) target(%dma_start3A_1474 : memref<512xf32, #tpu.memory_space<hbm>>) target_semaphore(%run_scoped3A : memref<!tpu.dma_semaphore, #tpu.memory_space<semaphore_mem>>)
      %dma_wait3A_1475 = tpu.memref_slice %arg6[%mul3A_2] : memref<16384xf32, #tpu.memory_space<hbm>> -> memref<512xf32, #tpu.memory_space<hbm>>
      %dma_wait3A_1476 = tpu.memref_slice %arg6[%mul3A_2] : memref<16384xf32, #tpu.memory_space<hbm>> -> memref<512xf32, #tpu.memory_space<hbm>>
      tpu.wait_dma2 semaphore(%run_scoped3A : memref<!tpu.dma_semaphore, #tpu.memory_space<semaphore_mem>>) src(%arg9 : memref<512xf32, #tpu.memory_space<vmem>>) dst(%dma_wait3A_1476 : memref<512xf32, #tpu.memory_space<hbm>>)
      tpu.yield
    }) : () -> ()
    return
  }
}

</mosaic_0001>

<sc_bundles>
// kernel: _sc_call.3.cloned.1.call-start
scs
__scs_entry_jumppad:
0x0: {  	(pc) =	sbr.rel $0x88, $3  }
0x1: {  	(tag) =	ssettag $0x0;
	lr =	simm.s32 $0x1  }
0x2: {  	[smem:$0x3F9D] =	sst lr;
	_ =	strace $0xD0000000  }
0x3: {  	_ = 	snop  }
0x4: {  	_ = 	snop  }
0x5: {  	_ = 	snop  }
0x6: {  	_ = 	snop  }
0x7: {  	_ = 	snop  }
__scs_overlays_trampoline_lowered:
0x8: {  	[smem:$0x3FAC] =	sst s0  }
0x9: {  	[smem:$0x3FAD] =	sst s1  }
0xa: {  	[smem:$0x3FAE] =	sst s2  }
0xb: {  	[smem:$0x3FAF] =	sst s3  }
0xc: {  	[smem:$0x3FB0] =	sst s4  }
0xd: {  	[smem:$0x3FB1] =	sst s5  }
0xe: {  	[smem:$0x3FB2] =	sst s6  }
0xf: {  	[smem:$0x3FB3] =	sst s7  }
0x10: {  	[smem:$0x3FB4] =	sst s8  }
0x11: {  	[smem:$0x3FB5] =	sst s9;
	s0 =	simm.s32 @!p0 $0x0  }
0x12: {  	s1 =	sld [smem:$0x3F9B];
	s0 =	simm.s32 @p0 $0x1  }
0x13: {  	[smem:$0x3FB6] =	sst s0;
	s0 =	simm.s32 @!p1 $0x0  }
0x14: {  	s2 =	sld [smem:$0x3F9A];
	s0 =	simm.s32 @p1 $0x1  }
0x15: {  	[smem:$0x3FB7] =	sst s0;
	s0 =	simm.s32 @!p2 $0x0  }
0x16: {  	s3 =	sld [smem:$0x3FDB];
	s0 =	simm.s32 @p2 $0x1  }
0x17: {  	s4 =	simm.s32 $0x1BF5;
	[smem:$0x3FB9] =	sst s0  }
0x18: {  	s0 =	sld [smem:$0x3F9C];
	_ =	swait.ge [sflag:s4], $0x0  }
0x19: {  	s7 =	sld [smem:$0x3F9D]  }
0x1a: {  	s8 =	sadd.s32 $0xFFFFE003, lr  }
0x1b: {  	s9 =	sadd.s32 $0xFFFFFEF7, lr;
	s5 =	simm.s32 $0xFFFFFFFF;
	p2 =	slt.u32 s8, $0xFFFFF086  }
0x1c: {  	p1 =	slt.u32 s9, $0xF7A;
	s5 =	simm.s32 @!p2 $0x0  }
0x1d: {  	s5 =	simm.s32 @p1 $0x1;
	p0 =	seq.s32 s7, s2  }
0x1e: {  	s7 =	smul.u32 @!p0 $0xF7A, s2;
	p2 =	seq.s32 @!p0 s5, $0x0  }
0x1f: {  	s9 =	smul.u32 $0xF7A, s1;
	s8 =	simm.s32 @!p0 $0x1BF5;
	p2 =	por !p2, p0  }
0x20: {  	[sflag:s8] =	ssyncset.s32 @!p0 $0xFFFFF086;
	s6 =	sadd.s32 @!p0 s3, s7;
	s7 =	simm.s32 @!p0 $0x108  }
0x21: {  	s3 =	sadd.s32 s3, s9;
	s6 =	sadd.s32 @!p0 $0x88, s6;
	s7 =	simm.s32 @p2 $0x1082  }
0x22: {  	[simem:s7], [sflag:s8] =	dma.local @!p0 [hbm:s6], $0xF7A  }
0x23: {  	s9 =	sor.u32 $0xD0000000, s2;
	s6 =	simm.s32 $0x108;
	_ =	swait.ge @!p0 [sflag:s8], $0x0  }
0x24: {  	s3 =	sadd.s32 $0x88, s3;
	s6 =	simm.s32 @!p1 $0x1082;
	[sflag:s4] =	ssyncset.s32 $0xFFFFF086  }
0x25: {  	[simem:s6], [sflag:s4] =	dma.local [hbm:s3], $0xF7A  }
0x26: {  	[smem:$0x3F9D] =	sst s1;
	(tag) =	ssettag s2;
	_ =	strace s9  }
0x27: {  	s1 =	sld [smem:$0x3FAD]  }
0x28: {  	s2 =	sld [smem:$0x3FAE]  }
0x29: {  	s4 =	sld [smem:$0x3FB0]  }
0x2a: {  	p0 =	seq.s32 s5, $0x0;
	s5 =	sld [smem:$0x3FB1]  }
0x2b: {  	s6 =	sld [smem:$0x3FB2]  }
0x2c: {  	s7 =	sld [smem:$0x3FB3]  }
0x2d: {  	s3 =	simm.s32 $0x108;
	s8 =	sld [smem:$0x3FB4]  }
0x2e: {  	s3 =	simm.s32 @!p0 $0x1082;
	s9 =	sld [smem:$0x3FB5]  }
0x2f: {  	lr =	sadd.s32 s0, s3;
	s0 =	sld [smem:$0x3FAC]  }
0x30: {  	s3 =	sld [smem:$0x3FAF]  }
0x31: {  	[smem:$0x3FB8] =	sst s10  }
0x32: {  	s10 =	sld [smem:$0x3FB6];
	_ =	sdelay $0x3  }
0x33: {  	p0 =	seq.s32 s10, $0x1;
	s10 =	sld [smem:$0x3FB8];
	_ =	sdelay $0x3  }
0x34: {  	[smem:$0x3FB8] =	sst s10  }
0x35: {  	s10 =	sld [smem:$0x3FB7];
	_ =	sdelay $0x3  }
0x36: {  	p1 =	seq.s32 s10, $0x1;
	s10 =	sld [smem:$0x3FB8];
	_ =	sdelay $0x3  }
0x37: {  	[smem:$0x3FB8] =	sst s10  }
0x38: {  	s10 =	sld [smem:$0x3FB9]  }
0x39: {  	_ = 	snop;
	(pc) =	sbr.ind lr, $3  }
0x3a: {  	_ = 	snop  }
0x3b: {  	_ = 	snop  }
0x3c: {  	p2 =	seq.s32 s10, $0x1;
	s10 =	sld [smem:$0x3FB8]  }
0x3d: {  	_ =	shalt  }
0x3e: {  	_ =	shalt  }
0x3f: {  	_ =	shalt  }
0x40: {  	_ =	shalt  }
0x41: {  	_ =	shalt  }
0x42: {  	_ =	shalt  }
0x43: {  	_ =	shalt  }
0x44: {  	_ =	shalt  }
0x45: {  	_ =	shalt  }
0x46: {  	_ =	shalt  }
0x47: {  	_ =	shalt  }
0x48: {  	_ =	shalt  }
0x49: {  	_ =	shalt  }
0x4a: {  	_ =	shalt  }
0x4b: {  	_ =	shalt  }
0x4c: {  	_ =	shalt  }
0x4d: {  	_ =	shalt  }
0x4e: {  	_ =	shalt  }
0x4f: {  	_ =	shalt  }
0x50: {  	_ =	shalt  }
0x51: {  	_ =	shalt  }
0x52: {  	_ =	shalt  }
0x53: {  	_ =	shalt  }
0x54: {  	_ =	shalt  }
0x55: {  	_ =	shalt  }
0x56: {  	_ =	shalt  }
0x57: {  	_ =	shalt  }
0x58: {  	_ =	shalt  }
0x59: {  	_ =	shalt  }
0x5a: {  	_ =	shalt  }
0x5b: {  	_ =	shalt  }
0x5c: {  	_ =	shalt  }
0x5d: {  	_ =	shalt  }
0x5e: {  	_ =	shalt  }
0x5f: {  	_ =	shalt  }
0x60: {  	_ =	shalt  }
0x61: {  	_ =	shalt  }
0x62: {  	_ =	shalt  }
0x63: {  	_ =	shalt  }
0x64: {  	_ =	shalt  }
0x65: {  	_ =	shalt  }
0x66: {  	_ =	shalt  }
0x67: {  	_ =	shalt  }
0x68: {  	_ =	shalt  }
0x69: {  	_ =	shalt  }
0x6a: {  	_ =	shalt  }
0x6b: {  	_ =	shalt  }
0x6c: {  	_ =	shalt  }
0x6d: {  	_ =	shalt  }
0x6e: {  	_ =	shalt  }
0x6f: {  	_ =	shalt  }
0x70: {  	_ =	shalt  }
0x71: {  	_ =	shalt  }
0x72: {  	_ =	shalt  }
0x73: {  	_ =	shalt  }
0x74: {  	_ =	shalt  }
0x75: {  	_ =	shalt  }
0x76: {  	_ =	shalt  }
0x77: {  	_ =	shalt  }
0x78: {  	_ =	shalt  }
0x79: {  	_ =	shalt  }
0x7a: {  	_ =	shalt  }
0x7b: {  	_ =	shalt  }
0x7c: {  	_ =	shalt  }
0x7d: {  	_ =	shalt  }
0x7e: {  	_ =	shalt  }
0x7f: {  	_ =	shalt  }
0x80: {  	_ =	shalt  }
0x81: {  	_ =	shalt  }
0x82: {  	_ =	shalt  }
0x83: {  	_ =	shalt  }
0x84: {  	_ =	shalt  }
0x85: {  	_ =	shalt  }
0x86: {  	_ =	shalt  }
0x87: {  	_ =	shalt  }
.Lfunc_end0:
.L_simem_size_0:
called_computation_lowered:
.L_overlay_start_0:
0x88: {  	s2 =	sld [smem:$0x3FD9]  }
0x89: {  	s3 =	sld [smem:$0x3FFE];
	_ =	sdelay $0x1  }
0x8a: {  	s1 =	srdreg.scid  }
0x8b: {  	s0 =	sand.u32 $0x1, s1  }
0x8c: {  	s18 =	sshll.u32 s0, $0xA;
	s2 =	sadd.s32 s3, s2  }
0x8d: {  	s2 =	sadd.s32 s2, s18  }
0x8e: {  	[smem:$0x3FC4] =	sst s2  }
0x8f: {  	_ = 	snop  }
0x90: {  	s2 =	sld [smem:$0x3FC9]  }
0x91: {  	s19 =	sld [smem:$0x3FC8]  }
0x92: {  	s4 =	sld [smem:$0x3FC7]  }
0x93: {  	s5 =	sld [smem:$0x3FC6]  }
0x94: {  	s6 =	sld [smem:$0x3FD0];
	(tm) =	ssettm $0x1  }
0x95: {  	s7 =	sld [smem:$0x3FFB];
	_ =	sdelay $0x3  }
0x96: {  	_ =	strace s7  }
0x97: {  	s7 =	sld [smem:$0x3FFC];
	_ =	sdelay $0x3  }
0x98: {  	_ =	strace s7  }
0x99: {  	s7 =	sld [smem:$0x3FFD];
	_ =	sdelay $0x3  }
0x9a: {  	_ =	strace s7  }
0x9b: {  	_ =	strace $0x8FFFFFFF  }
0x9c: {  	s20 =	sld [smem:$0x3FDB];
	_ =	sdelay $0x1  }
0x9d: {  	s8 =	simm.s32 $_scs_section_size  }
0x9e: {  	s9 =	simm.s32 $_size__tile_overlayer_lowered;
	s10 =	simm.s32 $_tile_overlayer_lowered  }
0x9f: {  	s23 =	simm.s32 $0x1BFF;
	s22 =	sshll.u32 s10, $0x1;
	s7 =	sadd.s32 s8, s20  }
0xa0: {  	s11 =	simm.s32 $0x0;
	s21 =	sshll.u32 s9, $0x1;
	s9 =	sadd.s32 s22, s7  }
0xa1: {  	[timem:s11], [sflag:s23] =	dma.local [hbm:s9], s21  }
0xa2: {  	_ =	swait.ge [sflag:s23], s21  }
0xa3: {  	s8 =	ssub.s32 $0x0, s21;
	[sflag:s23] =	ssyncset.done $0x0  }
0xa4: {  	[sflag:s23] =	ssyncadd.s32 s8;
	_ =	sdelay $0x1  }
0xa5: {  	s24 =	simm.s32 $0x1B8B  }
0xa6: {  	_ =	swait.ge [sflag:s24], $0x1  }
0xa7: {  	[sflag:s24] =	ssyncset.done $0x0  }
0xa8: {  	s25 =	simm.s32 $0x1B8E;
	[sflag:s24] =	ssyncadd.s32 $0xFFFFFFFF  }
0xa9: {  	s26 =	simm.s32 $execute0_lowered;
	[smem:$0x3FD2] =	sst s25  }
0xaa: {  	s8 =	sshll.u32 s26, $0x1;
	_ =	strace $0x80000046;
	[dreg:$0x1] =	wrdreg $0xFFFFFFFF  }
0xab: {  	s28 =	simm.s32 $_size_execute0_lowered;
	s7 =	sadd.s32 s7, s8;
	[dreg:$0x0] =	wrdreg $0x0  }
0xac: {  	s8 =	sshll.u32 s28, $0x1;
	[dreg:$0x2] =	wrdreg s7  }
0xad: {  	[dreg:$0x3] =	wrdreg s8  }
0xae: {  	[dreg:$0x4] =	wrdreg $0xC0  }
0xaf: {  	_ =	task [dreg:s11], $0x5FFFF  }
0xb0: {  	[dreg:$0x1] =	wrdreg $0xFFFFFFFF  }
0xb1: {  	[dreg:$0x0] =	wrdreg $0x60  }
0xb2: {  	[dreg:$0x2] =	wrdreg s2  }
0xb3: {  	[dreg:$0x3] =	wrdreg s19  }
0xb4: {  	[dreg:$0x4] =	wrdreg s4  }
0xb5: {  	[dreg:$0x5] =	wrdreg s5  }
0xb6: {  	[dreg:$0x6] =	wrdreg s6  }
0xb7: {  	[dreg:$0x7] =	wrdreg $0x9  }
0xb8: {  	_ =	task.clear_ibuf [dreg:s11], $0x8FFFF;
	_ =	strace $0x90000046  }
0xb9: {  	s29 =	simm.s32 $0x9;
	_ =	strace $0x80000048  }
0xba: {  	_ =	swait.ge [sflag:s29], $0x1  }
0xbb: {  	[sflag:s29] =	ssyncadd.s32 $0xFFFFFFFF  }
0xbc: {  	_ =	strace $0x90000048  }
0xbd: {  	_ =	sfence  }
0xbe: {  	s30 =	sld [smem:$0x0];
	_ =	sdelay $0x2  }
0xbf: {  	s31 =	sshll.u32 s1, $0xD;
	s1 =	sshrl.u32 s1, $0x2  }
0xc0: {  	s3 =	sand.u32 $0x4000, s31;
	s1 =	sadd.s32 s1, s30  }
0xc1: {  	s0 =	sor.u32 s3, s0;
	s1 =	sshll.u32 s1, $0x11  }
0xc2: {  	s0 =	sor.u32 s1, s0  }
0xc3: {  	s0 =	sadd.s32 $0x8F2B, s0  }
0xc4: {  	[sflag:s0] =	ssyncadd.remote.s32 $0x1  }
0xc5: {  	_ =	sfence.sel $0xFFFF  }
0xc6: {  	[dreg:$0x0] =	wrdreg $0xFFFFFFFF;
	(pc) =	sbr.abs _section_cstart, $3  }
0xc7: {  	[dreg:$0x1] =	wrdreg $0xFFFFFFFF  }
0xc8: {  	_ =	task.clear_ibuf [dreg:s11], $0x2FFFF;
	_ =	strace $0x9FFFFFFF  }
0xc9: {  	(tm) =	ssettm $0x7FFFFFFF  }
tec
execute0_lowered:
.L_overlay_start_1:
0x0: {  	(tag) =	ssettag $0x1  }
0x1: {  	s5 =	rddreg [dreg:$0x0]  }
0x2: {  	s6 =	rddreg [dreg:$0x1]  }
0x3: {  	s1 =	rddreg [dreg:$0x2]  }
0x4: {  	s2 =	rddreg [dreg:$0x3]  }
0x5: {  	s7 =	rddreg [dreg:$0x4]  }
0x6: {  	s0 =	rddreg [dreg:$0x5];
	s8 =	srdreg.scid  }
0x7: {  	s4 =	simm.s32 $0x0;
	s3 =	stileid.u32;
	s12 =	simm.s32 $0x1  }
0x8: {  	s13 =	simm.s32 $0x400;
	s14 =	simm.s32 $0x2;
	s8 =	sand.u32 $0x1, s8  }
0x9: {  	s10 =	sshll.u32 s3, $0x7;
	[smem:$0x7FF] =	sst s4;
	s9 =	ssub.s32 $0x2, s8  }
0xa: {  	s8 =	sshll.u32 s8, $0x6;
	_ =	strace $0x80000047;
	s11 =	sshrl.u32 s9, $0x1  }
0xb: {  	s8 =	sor.u32 s8, s10;
	s10 =	simm.s32 $0x600;
	s9 =	ssub.s32 s9, s11  }
0xc: {  	s5 =	sadd.s32 s5, s8;
	s6 =	sadd.s32 s6, s8;
	s7 =	sadd.s32 s7, s8  }
0xd: {  	s11 =	simm.s32 $0x680;
	s8 =	smax.u32 s9, $0x1;
	s9 =	simm.s32 $0x200  }
.LBB2_1:
0xe: {  	[tilespmem:s4], [sflag:$0x1] =	stream.linear.gather [hbm4b:s5+s4], $0x200, $0x38;
	[tilespmem:$0x700] =	vst v63  }
0xf: {  	_ = 	snop  }
0x10: {  	[tilespmem:s9], [sflag:$0x1] =	stream.linear.gather [hbm4b:s6+s4], $0x200, $0x38;
	[tilespmem:$0x700] =	vst v63  }
0x11: {  	_ = 	snop  }
0x12: {  	[tilespmem:s10], [sflag:$0x1] =	stream.linear.gather [hbm4b:s1+s4], $0x80, $0x38;
	[tilespmem:$0x700] =	vst v63  }
0x13: {  	_ = 	snop  }
0x14: {  	[tilespmem:s11], [sflag:$0x1] =	stream.linear.gather [hbm4b:s2+s4], $0x80, $0x38;
	[tilespmem:$0x700] =	vst v63  }
0x15: {  	_ =	swait.ge [sflag:s12], $0x200  }
0x16: {  	[sflag:s12] =	ssyncset.done $0x0  }
0x17: {  	[sflag:s12] =	ssyncadd.s32 $0xFFFFFE00  }
0x18: {  	_ =	swait.ge [sflag:s12], $0x200  }
0x19: {  	[sflag:s12] =	ssyncset.done $0x0  }
0x1a: {  	[sflag:s12] =	ssyncadd.s32 $0xFFFFFE00  }
0x1b: {  	_ =	swait.ge [sflag:s12], $0x80  }
0x1c: {  	[sflag:s12] =	ssyncset.done $0x0  }
0x1d: {  	[sflag:s12] =	ssyncadd.s32 $0xFFFFFF80  }
0x1e: {  	_ =	swait.ge [sflag:s12], $0x80  }
0x1f: {  	[sflag:s12] =	ssyncset.done $0x0  }
0x20: {  	[sflag:s12] =	ssyncadd.s32 $0xFFFFFF80  }
0x21: {  	v0 =	vld [tilespmem:$0x0];
	_ =	sdelay $0x4  }
0x22: {  	v1 =	vmul.f32 $5.000000000e-01, v0;
	v2 =	vshra.s32 v0, $0x1  }
0x23: {  	v2 =	vsub.s32 $0x5F3759DF, v2  }
0x24: {  	v3 =	vmul.f32 v2, v1;
	_ =	sdelay $0x1  }
0x25: {  	v3 =	vmul.f32 v2, v3  }
0x26: {  	v4 =	vld [tilespmem:$0x10]  }
0x27: {  	v3 =	vsub.f32 $1.500000000e+00, v3;
	_ =	sdelay $0x1  }
0x28: {  	v2 =	vmul.f32 v2, v3;
	_ =	sdelay $0x1  }
0x29: {  	v5 =	vmul.f32 $5.000000000e-01, v4;
	v6 =	vshra.s32 v4, $0x1;
	v3 =	vmul.f32 v2, v1  }
0x2a: {  	v7 =	vld [tilespmem:$0x200];
	v6 =	vsub.s32 $0x5F3759DF, v6  }
0x2b: {  	v8 =	vmul.f32 v6, v5;
	v3 =	vmul.f32 v3, v2;
	_ =	sdelay $0x1  }
0x2c: {  	v58 =	vld [tilespmem:$0x20];
	v8 =	vmul.f32 v6, v8;
	v3 =	vsub.f32 $1.500000000e+00, v3;
	_ =	sdelay $0x1  }
0x2d: {  	vm0 =	vgt.s32 v7, $0x0;
	v57 =	vsub.f32 $1.500000000e+00, v8;
	v2 =	vmul.f32 v3, v2  }
0x2e: {  	v7 =	vnsel vm0, $0x0, v7  }
0x2f: {  	v7 =	vmin.u32 v7, $0x6;
	v3 =	vmul.f32 v6, v57;
	v1 =	vmul.f32 v2, v1  }
0x30: {  	v10 =	vmul.f32 $5.000000000e-01, v58;
	v11 =	vshra.s32 v58, $0x1  }
0x31: {  	v11 =	vsub.s32 $0x5F3759DF, v11;
	v6 =	vmul.f32 v3, v5;
	v1 =	vmul.f32 v1, v2  }
0x32: {  	v9 =	vld [tilespmem:$0x210];
	v13 =	vmul.f32 v11, v10  }
0x33: {  	v63 =	vld [tilespmem:$0x30];
	v6 =	vmul.f32 v6, v3;
	v1 =	vsub.f32 $1.500000000e+00, v1  }
0x34: {  	v61 =	vmul.f32 v11, v13;
	v12 =	vld.idx.msk [tilespmem:v7+s10+$0x0], $0xffff  }
0x35: {  	v59 =	vsub.f32 $1.500000000e+00, v6;
	v1 =	vmul.f32 v1, v2  }
0x36: {  	v60 =	vld.idx.msk [tilespmem:v7+s11+$0x0], $0xffff;
	v7 =	vsub.f32 $1.500000000e+00, v61  }
0x37: {  	vm9 =	vgt.s32 v9, $0x0;
	v62 =	vmul.f32 v59, v3;
	v0 =	vmul.f32 v1, v0  }
0x38: {  	v19 =	vshra.s32 v63, $0x1;
	v16 =	vnsel vm9, $0x0, v9;
	v7 =	vmul.f32 v11, v7  }
0x39: {  	v3 =	vmin.u32 v16, $0x6;
	v5 =	vmul.f32 v62, v5;
	v0 =	vmul.f32 v0, v12  }
0x3a: {  	v18 =	vmul.f32 $5.000000000e-01, v63;
	v11 =	vsub.s32 $0x5F3759DF, v19  }
0x3b: {  	v17 =	vmul.f32 v7, v10;
	v5 =	vmul.f32 v5, v62;
	v0 =	vadd.f32 v0, v60  }
0x3c: {  	v21 =	vld [tilespmem:$0x220];
	v23 =	vmul.f32 v11, v18  }
0x3d: {  	v6 =	vmul.f32 v17, v7;
	v20 =	vsub.f32 $1.500000000e+00, v5;
	[tilespmem:$0x400] =	vst v0  }
0x3e: {  	v25 =	vmul.f32 v11, v23;
	v22 =	vld.idx.msk [tilespmem:v3+s10+$0x0], $0xffff  }
0x3f: {  	v27 =	vld [tilespmem:$0x40];
	v24 =	vsub.f32 $1.500000000e+00, v6;
	v0 =	vmul.f32 v20, v62  }
0x40: {  	v26 =	vsub.f32 $1.500000000e+00, v25;
	v3 =	vld.idx.msk [tilespmem:v3+s11+$0x0], $0xffff  }
0x41: {  	vm10 =	vgt.s32 v21, $0x0;
	v1 =	vmul.f32 v24, v7;
	v0 =	vmul.f32 v0, v4  }
0x42: {  	v5 =	vnsel vm10, $0x0, v21;
	v4 =	vmul.f32 v11, v26  }
0x43: {  	v7 =	vmul.f32 v1, v10;
	v5 =	vmin.u32 v5, $0x6;
	v0 =	vmul.f32 v0, v22  }
0x44: {  	v31 =	vmul.f32 $5.000000000e-01, v27;
	v29 =	vmul.f32 v4, v18  }
0x45: {  	v32 =	vshra.s32 v27, $0x1;
	v28 =	vmul.f32 v7, v1;
	v0 =	vadd.f32 v0, v3  }
0x46: {  	v30 =	vld [tilespmem:$0x230];
	v35 =	vsub.s32 $0x5F3759DF, v32;
	v34 =	vmul.f32 v29, v4  }
0x47: {  	v41 =	vld [tilespmem:$0x50];
	v37 =	vmul.f32 v35, v31;
	v33 =	vsub.f32 $1.500000000e+00, v28;
	[tilespmem:$0x410] =	vst v0  }
0x48: {  	v38 =	vsub.f32 $1.500000000e+00, v34;
	v36 =	vld.idx.msk [tilespmem:v5+s10+$0x0], $0xffff  }
0x49: {  	v40 =	vmul.f32 v35, v37;
	v0 =	vmul.f32 v33, v1  }
0x4a: {  	v1 =	vmul.f32 v38, v4;
	v39 =	vld.idx.msk [tilespmem:v5+s11+$0x0], $0xffff  }
0x4b: {  	vm11 =	vgt.s32 v30, $0x0;
	v5 =	vsub.f32 $1.500000000e+00, v40;
	v0 =	vmul.f32 v0, v58  }
0x4c: {  	v45 =	vshra.s32 v41, $0x1;
	v42 =	vnsel vm11, $0x0, v30;
	v9 =	vmul.f32 v1, v18  }
0x4d: {  	v8 =	vmin.u32 v42, $0x6;
	v5 =	vmul.f32 v35, v5;
	v0 =	vmul.f32 v0, v36  }
0x4e: {  	v44 =	vmul.f32 $5.000000000e-01, v41;
	v10 =	vsub.s32 $0x5F3759DF, v45  }
0x4f: {  	v43 =	vmul.f32 v9, v1;
	v7 =	vmul.f32 v5, v31;
	v0 =	vadd.f32 v0, v39  }
0x50: {  	v47 =	vld [tilespmem:$0x240];
	v49 =	vmul.f32 v10, v44  }
0x51: {  	v46 =	vsub.f32 $1.500000000e+00, v43;
	v7 =	vmul.f32 v7, v5;
	[tilespmem:$0x420] =	vst v0  }
0x52: {  	v51 =	vmul.f32 v10, v49;
	v48 =	vld.idx.msk [tilespmem:v8+s10+$0x0], $0xffff  }
0x53: {  	v53 =	vld [tilespmem:$0x60];
	v50 =	vsub.f32 $1.500000000e+00, v7;
	v0 =	vmul.f32 v46, v1  }
0x54: {  	v52 =	vsub.f32 $1.500000000e+00, v51;
	v8 =	vld.idx.msk [tilespmem:v8+s11+$0x0], $0xffff  }
0x55: {  	vm12 =	vgt.s32 v47, $0x0;
	v1 =	vmul.f32 v50, v5;
	v0 =	vmul.f32 v0, v63  }
0x56: {  	v2 =	vmul.f32 v10, v52;
	v3 =	vnsel vm12, $0x0, v47  }
0x57: {  	v3 =	vmin.u32 v3, $0x6;
	v54 =	vmul.f32 v1, v31;
	v0 =	vmul.f32 v0, v48  }
0x58: {  	v57 =	vmul.f32 $5.000000000e-01, v53;
	v55 =	vmul.f32 v2, v44;
	v58 =	vshra.s32 v53, $0x1  }
0x59: {  	v61 =	vsub.s32 $0x5F3759DF, v58;
	v7 =	vmul.f32 v54, v1;
	v0 =	vadd.f32 v0, v8  }
0x5a: {  	v56 =	vld [tilespmem:$0x250];
	v63 =	vmul.f32 v61, v57  }
0x5b: {  	v17 =	vld [tilespmem:$0x70];
	v60 =	vmul.f32 v55, v2;
	v59 =	vsub.f32 $1.500000000e+00, v7;
	[tilespmem:$0x430] =	vst v0  }
0x5c: {  	v16 =	vmul.f32 v61, v63;
	v62 =	vld.idx.msk [tilespmem:v3+s10+$0x0], $0xffff  }
0x5d: {  	v15 =	vsub.f32 $1.500000000e+00, v60;
	v0 =	vmul.f32 v59, v1  }
0x5e: {  	v7 =	vsub.f32 $1.500000000e+00, v16;
	v3 =	vld.idx.msk [tilespmem:v3+s11+$0x0], $0xffff  }
0x5f: {  	vm13 =	vgt.s32 v56, $0x0;
	v1 =	vmul.f32 v15, v2;
	v0 =	vmul.f32 v0, v27  }
0x60: {  	v21 =	vshra.s32 v17, $0x1;
	v18 =	vnsel vm13, $0x0, v56;
	v7 =	vmul.f32 v61, v7  }
0x61: {  	v6 =	vmin.u32 v18, $0x6;
	v9 =	vmul.f32 v1, v44;
	v0 =	vmul.f32 v0, v62  }
0x62: {  	v20 =	vmul.f32 $5.000000000e-01, v17;
	v10 =	vsub.s32 $0x5F3759DF, v21  }
0x63: {  	v8 =	vmul.f32 v7, v57;
	v19 =	vmul.f32 v9, v1;
	v0 =	vadd.f32 v0, v3  }
0x64: {  	v23 =	vld [tilespmem:$0x260];
	v25 =	vmul.f32 v10, v20  }
0x65: {  	v29 =	vld [tilespmem:$0x80];
	v8 =	vmul.f32 v8, v7;
	v22 =	vsub.f32 $1.500000000e+00, v19;
	[tilespmem:$0x440] =	vst v0  }
0x66: {  	v27 =	vmul.f32 v10, v25;
	v24 =	vld.idx.msk [tilespmem:v6+s10+$0x0], $0xffff  }
0x67: {  	v26 =	vsub.f32 $1.500000000e+00, v8;
	v0 =	vmul.f32 v22, v1  }
0x68: {  	v28 =	vsub.f32 $1.500000000e+00, v27;
	v6 =	vld.idx.msk [tilespmem:v6+s11+$0x0], $0xffff  }
0x69: {  	vm14 =	vgt.s32 v23, $0x0;
	v1 =	vmul.f32 v26, v7;
	v0 =	vmul.f32 v0, v41  }
0x6a: {  	v35 =	vshra.s32 v29, $0x1;
	v4 =	vmul.f32 v10, v28;
	v3 =	vnsel vm14, $0x0, v23  }
0x6b: {  	v3 =	vmin.u32 v3, $0x6;
	v30 =	vmul.f32 v1, v57;
	v0 =	vmul.f32 v0, v24  }
0x6c: {  	v34 =	vmul.f32 $5.000000000e-01, v29;
	v38 =	vsub.s32 $0x5F3759DF, v35  }
0x6d: {  	v32 =	vmul.f32 v4, v20;
	v31 =	vmul.f32 v30, v1;
	v0 =	vadd.f32 v0, v6  }
0x6e: {  	v33 =	vld [tilespmem:$0x270];
	v40 =	vmul.f32 v38, v34  }
0x6f: {  	v43 =	vld [tilespmem:$0x90];
	v37 =	vmul.f32 v32, v4;
	v36 =	vsub.f32 $1.500000000e+00, v31;
	[tilespmem:$0x450] =	vst v0  }
0x70: {  	v42 =	vmul.f32 v38, v40;
	v39 =	vld.idx.msk [tilespmem:v3+s10+$0x0], $0xffff  }
0x71: {  	v41 =	vsub.f32 $1.500000000e+00, v37;
	v0 =	vmul.f32 v36, v1  }
0x72: {  	v6 =	vsub.f32 $1.500000000e+00, v42;
	v3 =	vld.idx.msk [tilespmem:v3+s11+$0x0], $0xffff  }
0x73: {  	vm15 =	vgt.s32 v33, $0x0;
	v1 =	vmul.f32 v41, v4;
	v0 =	vmul.f32 v0, v53  }
0x74: {  	v47 =	vshra.s32 v43, $0x1;
	v44 =	vnsel vm15, $0x0, v33;
	v6 =	vmul.f32 v38, v6  }
0x75: {  	v5 =	vmin.u32 v44, $0x6;
	v9 =	vmul.f32 v1, v20;
	v0 =	vmul.f32 v0, v39  }
0x76: {  	v46 =	vmul.f32 $5.000000000e-01, v43;
	v10 =	vsub.s32 $0x5F3759DF, v47  }
0x77: {  	v8 =	vmul.f32 v6, v34;
	v45 =	vmul.f32 v9, v1;
	v0 =	vadd.f32 v0, v3  }
0x78: {  	v49 =	vld [tilespmem:$0x280];
	v51 =	vmul.f32 v10, v46  }
0x79: {  	v55 =	vld [tilespmem:$0xA0];
	v8 =	vmul.f32 v8, v6;
	v48 =	vsub.f32 $1.500000000e+00, v45;
	[tilespmem:$0x460] =	vst v0  }
0x7a: {  	v53 =	vmul.f32 v10, v51;
	v50 =	vld.idx.msk [tilespmem:v5+s10+$0x0], $0xffff  }
0x7b: {  	v52 =	vsub.f32 $1.500000000e+00, v8;
	v0 =	vmul.f32 v48, v1  }
0x7c: {  	v54 =	vsub.f32 $1.500000000e+00, v53;
	v5 =	vld.idx.msk [tilespmem:v5+s11+$0x0], $0xffff  }
0x7d: {  	vm4 =	vgt.s32 v49, $0x0;
	v1 =	vmul.f32 v52, v6;
	v0 =	vmul.f32 v0, v17  }
0x7e: {  	v61 =	vshra.s32 v55, $0x1;
	v2 =	vmul.f32 v10, v54;
	v3 =	vnsel vm4, $0x0, v49  }
0x7f: {  	v3 =	vmin.u32 v3, $0x6;
	v56 =	vmul.f32 v1, v34;
	v0 =	vmul.f32 v0, v50  }
0x80: {  	v60 =	vmul.f32 $5.000000000e-01, v55;
	v16 =	vsub.s32 $0x5F3759DF, v61  }
0x81: {  	v58 =	vmul.f32 v2, v46;
	v57 =	vmul.f32 v56, v1;
	v0 =	vadd.f32 v0, v5  }
0x82: {  	v59 =	vld [tilespmem:$0x290];
	v18 =	vmul.f32 v16, v60  }
0x83: {  	v21 =	vld [tilespmem:$0xB0];
	v63 =	vmul.f32 v58, v2;
	v62 =	vsub.f32 $1.500000000e+00, v57;
	[tilespmem:$0x470] =	vst v0  }
0x84: {  	v20 =	vmul.f32 v16, v18;
	v17 =	vld.idx.msk [tilespmem:v3+s10+$0x0], $0xffff  }
0x85: {  	v19 =	vsub.f32 $1.500000000e+00, v63;
	v0 =	vmul.f32 v62, v1  }
0x86: {  	v5 =	vsub.f32 $1.500000000e+00, v20;
	v3 =	vld.idx.msk [tilespmem:v3+s11+$0x0], $0xffff  }
0x87: {  	vm5 =	vgt.s32 v59, $0x0;
	v1 =	vmul.f32 v19, v2;
	v0 =	vmul.f32 v0, v29  }
0x88: {  	v25 =	vshra.s32 v21, $0x1;
	v22 =	vnsel vm5, $0x0, v59;
	v5 =	vmul.f32 v16, v5  }
0x89: {  	v7 =	vmin.u32 v22, $0x6;
	v9 =	vmul.f32 v1, v46;
	v0 =	vmul.f32 v0, v17  }
0x8a: {  	v24 =	vmul.f32 $5.000000000e-01, v21;
	v10 =	vsub.s32 $0x5F3759DF, v25  }
0x8b: {  	v8 =	vmul.f32 v5, v60;
	v23 =	vmul.f32 v9, v1;
	v0 =	vadd.f32 v0, v3  }
0x8c: {  	v27 =	vld [tilespmem:$0x2A0];
	v29 =	vmul.f32 v10, v24  }
0x8d: {  	v33 =	vld [tilespmem:$0xC0];
	v8 =	vmul.f32 v8, v5;
	v26 =	vsub.f32 $1.500000000e+00, v23;
	[tilespmem:$0x480] =	vst v0  }
0x8e: {  	v31 =	vmul.f32 v10, v29;
	v28 =	vld.idx.msk [tilespmem:v7+s10+$0x0], $0xffff  }
0x8f: {  	v30 =	vsub.f32 $1.500000000e+00, v8;
	v0 =	vmul.f32 v26, v1  }
0x90: {  	v32 =	vsub.f32 $1.500000000e+00, v31;
	v7 =	vld.idx.msk [tilespmem:v7+s11+$0x0], $0xffff  }
0x91: {  	vm6 =	vgt.s32 v27, $0x0;
	v1 =	vmul.f32 v30, v5;
	v0 =	vmul.f32 v0, v43  }
0x92: {  	v39 =	vshra.s32 v33, $0x1;
	v3 =	vnsel vm6, $0x0, v27;
	v4 =	vmul.f32 v10, v32  }
0x93: {  	v3 =	vmin.u32 v3, $0x6;
	v34 =	vmul.f32 v1, v60;
	v0 =	vmul.f32 v0, v28  }
0x94: {  	v38 =	vmul.f32 $5.000000000e-01, v33;
	v42 =	vsub.s32 $0x5F3759DF, v39  }
0x95: {  	v36 =	vmul.f32 v4, v24;
	v35 =	vmul.f32 v34, v1;
	v0 =	vadd.f32 v0, v7  }
0x96: {  	v37 =	vld [tilespmem:$0x2B0];
	v44 =	vmul.f32 v42, v38  }
0x97: {  	v47 =	vld [tilespmem:$0xD0];
	v41 =	vmul.f32 v36, v4;
	v40 =	vsub.f32 $1.500000000e+00, v35;
	[tilespmem:$0x490] =	vst v0  }
0x98: {  	v46 =	vmul.f32 v42, v44;
	v43 =	vld.idx.msk [tilespmem:v3+s10+$0x0], $0xffff  }
0x99: {  	v45 =	vsub.f32 $1.500000000e+00, v41;
	v0 =	vmul.f32 v40, v1  }
0x9a: {  	v7 =	vsub.f32 $1.500000000e+00, v46;
	v3 =	vld.idx.msk [tilespmem:v3+s11+$0x0], $0xffff  }
0x9b: {  	vm7 =	vgt.s32 v37, $0x0;
	v1 =	vmul.f32 v45, v4;
	v0 =	vmul.f32 v0, v55  }
0x9c: {  	v51 =	vshra.s32 v47, $0x1;
	v48 =	vnsel vm7, $0x0, v37;
	v7 =	vmul.f32 v42, v7  }
0x9d: {  	v6 =	vmin.u32 v48, $0x6;
	v9 =	vmul.f32 v1, v24;
	v0 =	vmul.f32 v0, v43  }
0x9e: {  	v50 =	vmul.f32 $5.000000000e-01, v47;
	v10 =	vsub.s32 $0x5F3759DF, v51  }
0x9f: {  	v8 =	vmul.f32 v7, v38;
	v49 =	vmul.f32 v9, v1;
	v0 =	vadd.f32 v0, v3  }
0xa0: {  	v53 =	vld [tilespmem:$0x2C0];
	v55 =	vmul.f32 v10, v50  }
0xa1: {  	v59 =	vld [tilespmem:$0xE0];
	v8 =	vmul.f32 v8, v7;
	v52 =	vsub.f32 $1.500000000e+00, v49;
	[tilespmem:$0x4A0] =	vst v0  }
0xa2: {  	v57 =	vmul.f32 v10, v55;
	v54 =	vld.idx.msk [tilespmem:v6+s10+$0x0], $0xffff  }
0xa3: {  	v56 =	vsub.f32 $1.500000000e+00, v8;
	v0 =	vmul.f32 v52, v1  }
0xa4: {  	v58 =	vsub.f32 $1.500000000e+00, v57;
	v6 =	vld.idx.msk [tilespmem:v6+s11+$0x0], $0xffff  }
0xa5: {  	vm8 =	vgt.s32 v53, $0x0;
	v1 =	vmul.f32 v56, v7;
	v0 =	vmul.f32 v0, v21  }
0xa6: {  	v17 =	vshra.s32 v59, $0x1;
	v3 =	vnsel vm8, $0x0, v53;
	v2 =	vmul.f32 v10, v58  }
0xa7: {  	v3 =	vmin.u32 v3, $0x6;
	v60 =	vmul.f32 v1, v38;
	v0 =	vmul.f32 v0, v54  }
0xa8: {  	v16 =	vmul.f32 $5.000000000e-01, v59;
	v20 =	vsub.s32 $0x5F3759DF, v17  }
0xa9: {  	v62 =	vmul.f32 v2, v50;
	v61 =	vmul.f32 v60, v1;
	v0 =	vadd.f32 v0, v6  }
0xaa: {  	v63 =	vld [tilespmem:$0x2D0];
	v22 =	vmul.f32 v20, v16  }
0xab: {  	v25 =	vld [tilespmem:$0xF0];
	v19 =	vmul.f32 v62, v2;
	v18 =	vsub.f32 $1.500000000e+00, v61;
	[tilespmem:$0x4B0] =	vst v0  }
0xac: {  	v24 =	vmul.f32 v20, v22;
	v21 =	vld.idx.msk [tilespmem:v3+s10+$0x0], $0xffff  }
0xad: {  	v23 =	vsub.f32 $1.500000000e+00, v19;
	v0 =	vmul.f32 v18, v1  }
0xae: {  	v6 =	vsub.f32 $1.500000000e+00, v24;
	v3 =	vld.idx.msk [tilespmem:v3+s11+$0x0], $0xffff  }
0xaf: {  	vm9 =	vgt.s32 v63, $0x0;
	v1 =	vmul.f32 v23, v2;
	v0 =	vmul.f32 v0, v33  }
0xb0: {  	v29 =	vshra.s32 v25, $0x1;
	v26 =	vnsel vm9, $0x0, v63;
	v6 =	vmul.f32 v20, v6  }
0xb1: {  	v5 =	vmin.u32 v26, $0x6;
	v9 =	vmul.f32 v1, v50;
	v0 =	vmul.f32 v0, v21  }
0xb2: {  	v28 =	vmul.f32 $5.000000000e-01, v25;
	v10 =	vsub.s32 $0x5F3759DF, v29  }
0xb3: {  	v8 =	vmul.f32 v6, v16;
	v27 =	vmul.f32 v9, v1;
	v0 =	vadd.f32 v0, v3  }
0xb4: {  	v31 =	vld [tilespmem:$0x2E0];
	v33 =	vmul.f32 v10, v28  }
0xb5: {  	v37 =	vld [tilespmem:$0x100];
	v8 =	vmul.f32 v8, v6;
	v30 =	vsub.f32 $1.500000000e+00, v27;
	[tilespmem:$0x4C0] =	vst v0  }
0xb6: {  	v35 =	vmul.f32 v10, v33;
	v32 =	vld.idx.msk [tilespmem:v5+s10+$0x0], $0xffff  }
0xb7: {  	v34 =	vsub.f32 $1.500000000e+00, v8;
	v0 =	vmul.f32 v30, v1  }
0xb8: {  	v36 =	vsub.f32 $1.500000000e+00, v35;
	v5 =	vld.idx.msk [tilespmem:v5+s11+$0x0], $0xffff  }
0xb9: {  	vm10 =	vgt.s32 v31, $0x0;
	v1 =	vmul.f32 v34, v6;
	v0 =	vmul.f32 v0, v47  }
0xba: {  	v43 =	vshra.s32 v37, $0x1;
	v3 =	vnsel vm10, $0x0, v31;
	v4 =	vmul.f32 v10, v36  }
0xbb: {  	v3 =	vmin.u32 v3, $0x6;
	v38 =	vmul.f32 v1, v16;
	v0 =	vmul.f32 v0, v32  }
0xbc: {  	v42 =	vmul.f32 $5.000000000e-01, v37;
	v46 =	vsub.s32 $0x5F3759DF, v43  }
0xbd: {  	v40 =	vmul.f32 v4, v28;
	v39 =	vmul.f32 v38, v1;
	v0 =	vadd.f32 v0, v5  }
0xbe: {  	v41 =	vld [tilespmem:$0x2F0];
	v48 =	vmul.f32 v46, v42  }
0xbf: {  	v51 =	vld [tilespmem:$0x110];
	v45 =	vmul.f32 v40, v4;
	v44 =	vsub.f32 $1.500000000e+00, v39;
	[tilespmem:$0x4D0] =	vst v0  }
0xc0: {  	v50 =	vmul.f32 v46, v48;
	v47 =	vld.idx.msk [tilespmem:v3+s10+$0x0], $0xffff  }
0xc1: {  	v49 =	vsub.f32 $1.500000000e+00, v45;
	v0 =	vmul.f32 v44, v1  }
0xc2: {  	v5 =	vsub.f32 $1.500000000e+00, v50;
	v3 =	vld.idx.msk [tilespmem:v3+s11+$0x0], $0xffff  }
0xc3: {  	vm11 =	vgt.s32 v41, $0x0;
	v1 =	vmul.f32 v49, v4;
	v0 =	vmul.f32 v0, v59  }
0xc4: {  	v55 =	vshra.s32 v51, $0x1;
	v52 =	vnsel vm11, $0x0, v41;
	v5 =	vmul.f32 v46, v5  }
0xc5: {  	v7 =	vmin.u32 v52, $0x6;
	v9 =	vmul.f32 v1, v28;
	v0 =	vmul.f32 v0, v47  }
0xc6: {  	v54 =	vmul.f32 $5.000000000e-01, v51;
	v10 =	vsub.s32 $0x5F3759DF, v55  }
0xc7: {  	v8 =	vmul.f32 v5, v42;
	v53 =	vmul.f32 v9, v1;
	v0 =	vadd.f32 v0, v3  }
0xc8: {  	v57 =	vld [tilespmem:$0x300];
	v59 =	vmul.f32 v10, v54  }
0xc9: {  	v63 =	vld [tilespmem:$0x120];
	v8 =	vmul.f32 v8, v5;
	v56 =	vsub.f32 $1.500000000e+00, v53;
	[tilespmem:$0x4E0] =	vst v0  }
0xca: {  	v61 =	vmul.f32 v10, v59;
	v58 =	vld.idx.msk [tilespmem:v7+s10+$0x0], $0xffff  }
0xcb: {  	v60 =	vsub.f32 $1.500000000e+00, v8;
	v0 =	vmul.f32 v56, v1  }
0xcc: {  	v62 =	vsub.f32 $1.500000000e+00, v61;
	v7 =	vld.idx.msk [tilespmem:v7+s11+$0x0], $0xffff  }
0xcd: {  	vm12 =	vgt.s32 v57, $0x0;
	v1 =	vmul.f32 v60, v5;
	v0 =	vmul.f32 v0, v25  }
0xce: {  	v20 =	vshra.s32 v63, $0x1;
	v3 =	vnsel vm12, $0x0, v57;
	v2 =	vmul.f32 v10, v62  }
0xcf: {  	v3 =	vmin.u32 v3, $0x6;
	v15 =	vmul.f32 v1, v42;
	v0 =	vmul.f32 v0, v58  }
0xd0: {  	v19 =	vmul.f32 $5.000000000e-01, v63;
	v23 =	vsub.s32 $0x5F3759DF, v20  }
0xd1: {  	v18 =	vld [tilespmem:$0x310];
	v17 =	vmul.f32 v2, v54;
	v16 =	vmul.f32 v15, v1;
	v0 =	vadd.f32 v0, v7  }
0xd2: {  	v25 =	vmul.f32 v23, v19  }
0xd3: {  	v28 =	vld [tilespmem:$0x130];
	v22 =	vmul.f32 v17, v2;
	v21 =	vsub.f32 $1.500000000e+00, v16;
	[tilespmem:$0x4F0] =	vst v0  }
0xd4: {  	v27 =	vmul.f32 v23, v25;
	v24 =	vld.idx.msk [tilespmem:v3+s10+$0x0], $0xffff  }
0xd5: {  	v26 =	vsub.f32 $1.500000000e+00, v22;
	v0 =	vmul.f32 v21, v1  }
0xd6: {  	vm13 =	vgt.s32 v18, $0x0;
	v7 =	vsub.f32 $1.500000000e+00, v27;
	v3 =	vld.idx.msk [tilespmem:v3+s11+$0x0], $0xffff  }
0xd7: {  	v29 =	vnsel vm13, $0x0, v18;
	v1 =	vmul.f32 v26, v2;
	v0 =	vmul.f32 v0, v37  }
0xd8: {  	v6 =	vmin.u32 v29, $0x6;
	v7 =	vmul.f32 v23, v7  }
0xd9: {  	v32 =	vshra.s32 v28, $0x1;
	v9 =	vmul.f32 v1, v54;
	v0 =	vmul.f32 v0, v24  }
0xda: {  	v31 =	vmul.f32 $5.000000000e-01, v28;
	v10 =	vsub.s32 $0x5F3759DF, v32  }
0xdb: {  	v8 =	vmul.f32 v7, v19;
	v30 =	vmul.f32 v9, v1;
	v0 =	vadd.f32 v0, v3  }
0xdc: {  	v34 =	vld [tilespmem:$0x320];
	v36 =	vmul.f32 v10, v31  }
0xdd: {  	v40 =	vld [tilespmem:$0x140];
	v8 =	vmul.f32 v8, v7;
	v33 =	vsub.f32 $1.500000000e+00, v30;
	[tilespmem:$0x500] =	vst v0  }
0xde: {  	v38 =	vmul.f32 v10, v36;
	v35 =	vld.idx.msk [tilespmem:v6+s10+$0x0], $0xffff  }
0xdf: {  	v37 =	vsub.f32 $1.500000000e+00, v8;
	v0 =	vmul.f32 v33, v1  }
0xe0: {  	v39 =	vsub.f32 $1.500000000e+00, v38;
	v6 =	vld.idx.msk [tilespmem:v6+s11+$0x0], $0xffff  }
0xe1: {  	vm14 =	vgt.s32 v34, $0x0;
	v1 =	vmul.f32 v37, v7;
	v0 =	vmul.f32 v0, v51  }
0xe2: {  	v46 =	vshra.s32 v40, $0x1;
	v4 =	vmul.f32 v10, v39;
	v3 =	vnsel vm14, $0x0, v34  }
0xe3: {  	v3 =	vmin.u32 v3, $0x6;
	v41 =	vmul.f32 v1, v19;
	v0 =	vmul.f32 v0, v35  }
0xe4: {  	v45 =	vmul.f32 $5.000000000e-01, v40;
	v49 =	vsub.s32 $0x5F3759DF, v46  }
0xe5: {  	v44 =	vld [tilespmem:$0x330];
	v43 =	vmul.f32 v4, v31;
	v42 =	vmul.f32 v41, v1;
	v0 =	vadd.f32 v0, v6  }
0xe6: {  	v51 =	vmul.f32 v49, v45  }
0xe7: {  	v48 =	vmul.f32 v43, v4;
	v54 =	vld [tilespmem:$0x150];
	v47 =	vsub.f32 $1.500000000e+00, v42;
	[tilespmem:$0x510] =	vst v0  }
0xe8: {  	v53 =	vmul.f32 v49, v51;
	v50 =	vld.idx.msk [tilespmem:v3+s10+$0x0], $0xffff  }
0xe9: {  	v52 =	vsub.f32 $1.500000000e+00, v48;
	v0 =	vmul.f32 v47, v1  }
0xea: {  	vm15 =	vgt.s32 v44, $0x0;
	v6 =	vsub.f32 $1.500000000e+00, v53;
	v3 =	vld.idx.msk [tilespmem:v3+s11+$0x0], $0xffff  }
0xeb: {  	v55 =	vnsel vm15, $0x0, v44;
	v1 =	vmul.f32 v52, v4;
	v0 =	vmul.f32 v0, v63  }
0xec: {  	v5 =	vmin.u32 v55, $0x6;
	v6 =	vmul.f32 v49, v6  }
0xed: {  	v58 =	vshra.s32 v54, $0x1;
	v9 =	vmul.f32 v1, v31;
	v0 =	vmul.f32 v0, v50  }
0xee: {  	v57 =	vmul.f32 $5.000000000e-01, v54;
	v10 =	vsub.s32 $0x5F3759DF, v58  }
0xef: {  	v8 =	vmul.f32 v6, v45;
	v56 =	vmul.f32 v9, v1;
	v0 =	vadd.f32 v0, v3  }
0xf0: {  	v60 =	vld [tilespmem:$0x340];
	v62 =	vmul.f32 v10, v57  }
0xf1: {  	v16 =	vld [tilespmem:$0x160];
	v8 =	vmul.f32 v8, v6;
	v59 =	vsub.f32 $1.500000000e+00, v56;
	[tilespmem:$0x520] =	vst v0  }
0xf2: {  	v14 =	vmul.f32 v10, v62;
	v61 =	vld.idx.msk [tilespmem:v5+s10+$0x0], $0xffff  }
0xf3: {  	v63 =	vsub.f32 $1.500000000e+00, v8;
	v0 =	vmul.f32 v59, v1  }
0xf4: {  	v15 =	vsub.f32 $1.500000000e+00, v14;
	v5 =	vld.idx.msk [tilespmem:v5+s11+$0x0], $0xffff  }
0xf5: {  	vm4 =	vgt.s32 v60, $0x0;
	v1 =	vmul.f32 v63, v6;
	v0 =	vmul.f32 v0, v28  }
0xf6: {  	v22 =	vshra.s32 v16, $0x1;
	v2 =	vmul.f32 v10, v15;
	v3 =	vnsel vm4, $0x0, v60  }
0xf7: {  	v3 =	vmin.u32 v3, $0x6;
	v17 =	vmul.f32 v1, v45;
	v0 =	vmul.f32 v0, v61  }
0xf8: {  	v21 =	vmul.f32 $5.000000000e-01, v16;
	v25 =	vsub.s32 $0x5F3759DF, v22  }
0xf9: {  	v19 =	vmul.f32 v2, v57;
	v18 =	vmul.f32 v17, v1;
	v0 =	vadd.f32 v0, v5  }
0xfa: {  	v20 =	vld [tilespmem:$0x350];
	v27 =	vmul.f32 v25, v21  }
0xfb: {  	v30 =	vld [tilespmem:$0x170];
	v24 =	vmul.f32 v19, v2;
	v23 =	vsub.f32 $1.500000000e+00, v18;
	[tilespmem:$0x530] =	vst v0  }
0xfc: {  	v29 =	vmul.f32 v25, v27;
	v26 =	vld.idx.msk [tilespmem:v3+s10+$0x0], $0xffff  }
0xfd: {  	v28 =	vsub.f32 $1.500000000e+00, v24;
	v0 =	vmul.f32 v23, v1  }
0xfe: {  	v5 =	vsub.f32 $1.500000000e+00, v29;
	v3 =	vld.idx.msk [tilespmem:v3+s11+$0x0], $0xffff  }
0xff: {  	vm5 =	vgt.s32 v20, $0x0;
	v1 =	vmul.f32 v28, v2;
	v0 =	vmul.f32 v0, v40  }
0x100: {  	v34 =	vshra.s32 v30, $0x1;
	v31 =	vnsel vm5, $0x0, v20;
	v5 =	vmul.f32 v25, v5  }
0x101: {  	v7 =	vmin.u32 v31, $0x6;
	v9 =	vmul.f32 v1, v57;
	v0 =	vmul.f32 v0, v26  }
0x102: {  	v33 =	vmul.f32 $5.000000000e-01, v30;
	v10 =	vsub.s32 $0x5F3759DF, v34  }
0x103: {  	v8 =	vmul.f32 v5, v21;
	v32 =	vmul.f32 v9, v1;
	v0 =	vadd.f32 v0, v3  }
0x104: {  	v36 =	vld [tilespmem:$0x360];
	v38 =	vmul.f32 v10, v33  }
0x105: {  	v42 =	vld [tilespmem:$0x180];
	v8 =	vmul.f32 v8, v5;
	v35 =	vsub.f32 $1.500000000e+00, v32;
	[tilespmem:$0x540] =	vst v0  }
0x106: {  	v40 =	vmul.f32 v10, v38;
	v37 =	vld.idx.msk [tilespmem:v7+s10+$0x0], $0xffff  }
0x107: {  	v39 =	vsub.f32 $1.500000000e+00, v8;
	v0 =	vmul.f32 v35, v1  }
0x108: {  	v41 =	vsub.f32 $1.500000000e+00, v40;
	v7 =	vld.idx.msk [tilespmem:v7+s11+$0x0], $0xffff  }
0x109: {  	vm6 =	vgt.s32 v36, $0x0;
	v1 =	vmul.f32 v39, v5;
	v0 =	vmul.f32 v0, v54  }
0x10a: {  	v48 =	vshra.s32 v42, $0x1;
	v4 =	vmul.f32 v10, v41;
	v3 =	vnsel vm6, $0x0, v36  }
0x10b: {  	v3 =	vmin.u32 v3, $0x6;
	v43 =	vmul.f32 v1, v21;
	v0 =	vmul.f32 v0, v37  }
0x10c: {  	v47 =	vmul.f32 $5.000000000e-01, v42;
	v51 =	vsub.s32 $0x5F3759DF, v48  }
0x10d: {  	v45 =	vmul.f32 v4, v33;
	v44 =	vmul.f32 v43, v1;
	v0 =	vadd.f32 v0, v7  }
0x10e: {  	v46 =	vld [tilespmem:$0x370];
	v53 =	vmul.f32 v51, v47  }
0x10f: {  	v56 =	vld [tilespmem:$0x190];
	v50 =	vmul.f32 v45, v4;
	v49 =	vsub.f32 $1.500000000e+00, v44;
	[tilespmem:$0x550] =	vst v0  }
0x110: {  	v55 =	vmul.f32 v51, v53;
	v52 =	vld.idx.msk [tilespmem:v3+s10+$0x0], $0xffff  }
0x111: {  	v54 =	vsub.f32 $1.500000000e+00, v50;
	v0 =	vmul.f32 v49, v1  }
0x112: {  	v7 =	vsub.f32 $1.500000000e+00, v55;
	v3 =	vld.idx.msk [tilespmem:v3+s11+$0x0], $0xffff  }
0x113: {  	vm7 =	vgt.s32 v46, $0x0;
	v1 =	vmul.f32 v54, v4;
	v0 =	vmul.f32 v0, v16  }
0x114: {  	v60 =	vshra.s32 v56, $0x1;
	v57 =	vnsel vm7, $0x0, v46;
	v7 =	vmul.f32 v51, v7  }
0x115: {  	v6 =	vmin.u32 v57, $0x6;
	v9 =	vmul.f32 v1, v33;
	v0 =	vmul.f32 v0, v52  }
0x116: {  	v59 =	vmul.f32 $5.000000000e-01, v56;
	v10 =	vsub.s32 $0x5F3759DF, v60  }
0x117: {  	v8 =	vmul.f32 v7, v47;
	v58 =	vmul.f32 v9, v1;
	v0 =	vadd.f32 v0, v3  }
0x118: {  	v62 =	vld [tilespmem:$0x380];
	v16 =	vmul.f32 v10, v59  }
0x119: {  	v20 =	vld [tilespmem:$0x1A0];
	v8 =	vmul.f32 v8, v7;
	v61 =	vsub.f32 $1.500000000e+00, v58;
	[tilespmem:$0x560] =	vst v0  }
0x11a: {  	v18 =	vmul.f32 v10, v16;
	v63 =	vld.idx.msk [tilespmem:v6+s10+$0x0], $0xffff  }
0x11b: {  	v17 =	vsub.f32 $1.500000000e+00, v8;
	v0 =	vmul.f32 v61, v1  }
0x11c: {  	v19 =	vsub.f32 $1.500000000e+00, v18;
	v6 =	vld.idx.msk [tilespmem:v6+s11+$0x0], $0xffff  }
0x11d: {  	vm8 =	vgt.s32 v62, $0x0;
	v1 =	vmul.f32 v17, v7;
	v0 =	vmul.f32 v0, v30  }
0x11e: {  	v26 =	vshra.s32 v20, $0x1;
	v3 =	vnsel vm8, $0x0, v62;
	v2 =	vmul.f32 v10, v19  }
0x11f: {  	v3 =	vmin.u32 v3, $0x6;
	v21 =	vmul.f32 v1, v47;
	v0 =	vmul.f32 v0, v63  }
0x120: {  	v25 =	vmul.f32 $5.000000000e-01, v20;
	v29 =	vsub.s32 $0x5F3759DF, v26  }
0x121: {  	v23 =	vmul.f32 v2, v59;
	v22 =	vmul.f32 v21, v1;
	v0 =	vadd.f32 v0, v6  }
0x122: {  	v24 =	vld [tilespmem:$0x390];
	v31 =	vmul.f32 v29, v25  }
0x123: {  	v34 =	vld [tilespmem:$0x1B0];
	v28 =	vmul.f32 v23, v2;
	v27 =	vsub.f32 $1.500000000e+00, v22;
	[tilespmem:$0x570] =	vst v0  }
0x124: {  	v33 =	vmul.f32 v29, v31;
	v30 =	vld.idx.msk [tilespmem:v3+s10+$0x0], $0xffff  }
0x125: {  	v32 =	vsub.f32 $1.500000000e+00, v28;
	v0 =	vmul.f32 v27, v1  }
0x126: {  	v6 =	vsub.f32 $1.500000000e+00, v33;
	v3 =	vld.idx.msk [tilespmem:v3+s11+$0x0], $0xffff  }
0x127: {  	vm9 =	vgt.s32 v24, $0x0;
	v1 =	vmul.f32 v32, v2;
	v0 =	vmul.f32 v0, v42  }
0x128: {  	v38 =	vshra.s32 v34, $0x1;
	v35 =	vnsel vm9, $0x0, v24;
	v6 =	vmul.f32 v29, v6  }
0x129: {  	v5 =	vmin.u32 v35, $0x6;
	v9 =	vmul.f32 v1, v59;
	v0 =	vmul.f32 v0, v30  }
0x12a: {  	v37 =	vmul.f32 $5.000000000e-01, v34;
	v10 =	vsub.s32 $0x5F3759DF, v38  }
0x12b: {  	v8 =	vmul.f32 v6, v25;
	v36 =	vmul.f32 v9, v1;
	v0 =	vadd.f32 v0, v3  }
0x12c: {  	v40 =	vld [tilespmem:$0x3A0];
	v42 =	vmul.f32 v10, v37  }
0x12d: {  	v46 =	vld [tilespmem:$0x1C0];
	v8 =	vmul.f32 v8, v6;
	v39 =	vsub.f32 $1.500000000e+00, v36;
	[tilespmem:$0x580] =	vst v0  }
0x12e: {  	v44 =	vmul.f32 v10, v42;
	v41 =	vld.idx.msk [tilespmem:v5+s10+$0x0], $0xffff  }
0x12f: {  	v43 =	vsub.f32 $1.500000000e+00, v8;
	v0 =	vmul.f32 v39, v1  }
0x130: {  	v45 =	vsub.f32 $1.500000000e+00, v44;
	v5 =	vld.idx.msk [tilespmem:v5+s11+$0x0], $0xffff  }
0x131: {  	vm10 =	vgt.s32 v40, $0x0;
	v1 =	vmul.f32 v43, v6;
	v0 =	vmul.f32 v0, v56  }
0x132: {  	v52 =	vshra.s32 v46, $0x1;
	v3 =	vnsel vm10, $0x0, v40;
	v4 =	vmul.f32 v10, v45  }
0x133: {  	v3 =	vmin.u32 v3, $0x6;
	v47 =	vmul.f32 v1, v25;
	v0 =	vmul.f32 v0, v41  }
0x134: {  	v51 =	vmul.f32 $5.000000000e-01, v46;
	v55 =	vsub.s32 $0x5F3759DF, v52  }
0x135: {  	v49 =	vmul.f32 v4, v37;
	v48 =	vmul.f32 v47, v1;
	v0 =	vadd.f32 v0, v5  }
0x136: {  	v50 =	vld [tilespmem:$0x3B0];
	v57 =	vmul.f32 v55, v51  }
0x137: {  	v60 =	vld [tilespmem:$0x1D0];
	v54 =	vmul.f32 v49, v4;
	v53 =	vsub.f32 $1.500000000e+00, v48;
	[tilespmem:$0x590] =	vst v0  }
0x138: {  	v59 =	vmul.f32 v55, v57;
	v56 =	vld.idx.msk [tilespmem:v3+s10+$0x0], $0xffff  }
0x139: {  	v58 =	vsub.f32 $1.500000000e+00, v54;
	v0 =	vmul.f32 v53, v1  }
0x13a: {  	v5 =	vsub.f32 $1.500000000e+00, v59;
	v3 =	vld.idx.msk [tilespmem:v3+s11+$0x0], $0xffff  }
0x13b: {  	vm11 =	vgt.s32 v50, $0x0;
	v1 =	vmul.f32 v58, v4;
	v0 =	vmul.f32 v0, v20  }
0x13c: {  	v16 =	vshra.s32 v60, $0x1;
	v61 =	vnsel vm11, $0x0, v50;
	v5 =	vmul.f32 v55, v5  }
0x13d: {  	v7 =	vmin.u32 v61, $0x6;
	v9 =	vmul.f32 v1, v37;
	v0 =	vmul.f32 v0, v56  }
0x13e: {  	v63 =	vmul.f32 $5.000000000e-01, v60;
	v10 =	vsub.s32 $0x5F3759DF, v16  }
0x13f: {  	v8 =	vmul.f32 v5, v51;
	v62 =	vmul.f32 v9, v1;
	v0 =	vadd.f32 v0, v3  }
0x140: {  	v18 =	vld [tilespmem:$0x3C0];
	v20 =	vmul.f32 v10, v63  }
0x141: {  	v24 =	vld [tilespmem:$0x1E0];
	v8 =	vmul.f32 v8, v5;
	v17 =	vsub.f32 $1.500000000e+00, v62;
	[tilespmem:$0x5A0] =	vst v0  }
0x142: {  	v22 =	vmul.f32 v10, v20;
	v19 =	vld.idx.msk [tilespmem:v7+s10+$0x0], $0xffff  }
0x143: {  	v21 =	vsub.f32 $1.500000000e+00, v8;
	v0 =	vmul.f32 v17, v1  }
0x144: {  	v23 =	vsub.f32 $1.500000000e+00, v22;
	v7 =	vld.idx.msk [tilespmem:v7+s11+$0x0], $0xffff  }
0x145: {  	vm12 =	vgt.s32 v18, $0x0;
	v1 =	vmul.f32 v21, v5;
	v0 =	vmul.f32 v0, v34  }
0x146: {  	v30 =	vshra.s32 v24, $0x1;
	v3 =	vnsel vm12, $0x0, v18;
	v2 =	vmul.f32 v10, v23  }
0x147: {  	v3 =	vmin.u32 v3, $0x6;
	v25 =	vmul.f32 v1, v51;
	v0 =	vmul.f32 v0, v19  }
0x148: {  	v29 =	vmul.f32 $5.000000000e-01, v24;
	v33 =	vsub.s32 $0x5F3759DF, v30  }
0x149: {  	v27 =	vmul.f32 v2, v63;
	v26 =	vmul.f32 v25, v1;
	v0 =	vadd.f32 v0, v7  }
0x14a: {  	v28 =	vld [tilespmem:$0x3D0];
	v35 =	vmul.f32 v33, v29  }
0x14b: {  	v38 =	vld [tilespmem:$0x1F0];
	v32 =	vmul.f32 v27, v2;
	v31 =	vsub.f32 $1.500000000e+00, v26;
	[tilespmem:$0x5B0] =	vst v0  }
0x14c: {  	v37 =	vmul.f32 v33, v35;
	v34 =	vld.idx.msk [tilespmem:v3+s10+$0x0], $0xffff  }
0x14d: {  	v36 =	vsub.f32 $1.500000000e+00, v32;
	v0 =	vmul.f32 v31, v1  }
0x14e: {  	v7 =	vsub.f32 $1.500000000e+00, v37;
	v3 =	vld.idx.msk [tilespmem:v3+s11+$0x0], $0xffff  }
0x14f: {  	vm13 =	vgt.s32 v28, $0x0;
	v1 =	vmul.f32 v36, v2;
	v0 =	vmul.f32 v0, v46  }
0x150: {  	v42 =	vshra.s32 v38, $0x1;
	v39 =	vnsel vm13, $0x0, v28;
	v7 =	vmul.f32 v33, v7  }
0x151: {  	v6 =	vmin.u32 v39, $0x6;
	v9 =	vmul.f32 v1, v63;
	v0 =	vmul.f32 v0, v34  }
0x152: {  	v41 =	vmul.f32 $5.000000000e-01, v38;
	v10 =	vsub.s32 $0x5F3759DF, v42  }
0x153: {  	v8 =	vmul.f32 v7, v29;
	v40 =	vmul.f32 v9, v1;
	v0 =	vadd.f32 v0, v3  }
0x154: {  	v44 =	vld [tilespmem:$0x3E0];
	v46 =	vmul.f32 v10, v41  }
0x155: {  	v8 =	vmul.f32 v8, v7;
	v43 =	vsub.f32 $1.500000000e+00, v40;
	[tilespmem:$0x5C0] =	vst v0  }
0x156: {  	v48 =	vmul.f32 v10, v46;
	v45 =	vld.idx.msk [tilespmem:v6+s10+$0x0], $0xffff  }
0x157: {  	v47 =	vsub.f32 $1.500000000e+00, v8;
	v0 =	vmul.f32 v43, v1  }
0x158: {  	v50 =	vsub.f32 $1.500000000e+00, v48;
	v49 =	vld.idx.msk [tilespmem:v6+s11+$0x0], $0xffff  }
0x159: {  	vm14 =	vgt.s32 v44, $0x0;
	v1 =	vmul.f32 v47, v7;
	v0 =	vmul.f32 v0, v60  }
0x15a: {  	v3 =	vnsel vm14, $0x0, v44;
	v6 =	vmul.f32 v10, v50  }
0x15b: {  	v3 =	vmin.u32 v3, $0x6;
	v7 =	vmul.f32 v1, v29;
	v0 =	vmul.f32 v0, v45;
	_ =	sdelay $0x1  }
0x15c: {  	v52 =	vmul.f32 v6, v41;
	v51 =	vmul.f32 v7, v1;
	v0 =	vadd.f32 v0, v49  }
0x15d: {  	v53 =	vld [tilespmem:$0x3F0]  }
0x15e: {  	v55 =	vmul.f32 v52, v6;
	v54 =	vsub.f32 $1.500000000e+00, v51;
	[tilespmem:$0x5D0] =	vst v0  }
0x15f: {  	v56 =	vld.idx.msk [tilespmem:v3+s10+$0x0], $0xffff  }
0x160: {  	v57 =	vsub.f32 $1.500000000e+00, v55;
	v0 =	vmul.f32 v54, v1  }
0x161: {  	v3 =	vld.idx.msk [tilespmem:v3+s11+$0x0], $0xffff  }
0x162: {  	vm15 =	vgt.s32 v53, $0x0;
	v1 =	vmul.f32 v57, v6;
	v0 =	vmul.f32 v0, v24  }
0x163: {  	v58 =	vnsel vm15, $0x0, v53  }
0x164: {  	v4 =	vmin.u32 v58, $0x6;
	v59 =	vmul.f32 v1, v41;
	v0 =	vmul.f32 v0, v56;
	_ =	sdelay $0x1  }
0x165: {  	v60 =	vmul.f32 v59, v1;
	v0 =	vadd.f32 v0, v3;
	_ =	sdelay $0x1  }
0x166: {  	v61 =	vsub.f32 $1.500000000e+00, v60;
	[tilespmem:$0x5E0] =	vst v0  }
0x167: {  	v62 =	vld.idx.msk [tilespmem:v4+s10+$0x0], $0xffff  }
0x168: {  	v0 =	vmul.f32 v61, v1  }
0x169: {  	v63 =	vld.idx.msk [tilespmem:v4+s11+$0x0], $0xffff  }
0x16a: {  	v0 =	vmul.f32 v0, v38;
	_ =	sdelay $0x1  }
0x16b: {  	v0 =	vmul.f32 v0, v62;
	_ =	sdelay $0x1  }
0x16c: {  	v0 =	vadd.f32 v0, v63  }
0x16d: {  	p0 =	sne.s32 s8, $0x1  }
.Ltmp0:
0x16e: {  	[tilespmem:$0x5F0] =	vst v0;
	(pc) =	sbr.rel @p0 .LBB2_1-.Ltmp0, $4  }
0x16f: {  	[hbm4b:s7+s4] =	stream.linear.scatter [tilespmem:s13], [sflag:$0x2], $0x200, $0x38;
	[tilespmem:$0x700] =	vst v63  }
0x170: {  	_ =	swait.ge [sflag:s14], $0x200  }
0x171: {  	[sflag:s14] =	ssyncset.done $0x0  }
0x172: {  	s8 =	sadd.s32 $0xFFFFFFFF, s8;
	[sflag:s14] =	ssyncadd.s32 $0xFFFFFE00  }
0x173: {  	_ =	sfence.sel $0x180000  }
0x174: {  	[bflag:$0x0] =	sbarrier.arrive $0xFFFF  }
0x175: {  	p0 =	sne.s32 s3, $0x0;
	_ =	strace $0x90000047  }
0x176: {  	s0 =	sadd.s32 @!p0 $0x100000, s0;
	[bflag:$0x2] =	sbarrier.arrive $0xFFFF  }
0x177: {  	[sflag:s0] =	ssyncadd.tile.s32 @!p0 $0x1;
	_ =	shalt  }
.Lfunc_end2:
_tile_overlayer_lowered:
.L_overlay_start_2:
0x178: {  	(tag) =	ssettag $0x2  }
0x179: {  	s0 =	rddreg [dreg:$0x0];
	s2 =	stileid.u32  }
0x17a: {  	s1 =	rddreg [dreg:$0x1];
	p0 =	sne.s32 s2, $0x0  }
0x17b: {  	s3 =	rddreg [dreg:$0x2];
	[bflag:$0x3] =	sbarrier.arrive $0xFFFF;
	s2 =	simm.s32 @!p0 $0x1C02  }
0x17c: {  	[timem:s3], [sflag:s2] =	dma.local @!p0 [hbm:s0], s1  }
0x17d: {  	s0 =	simm.s32 @!p0 $0x2  }
0x17e: {  	_ =	swait.ge @!p0 [sflag:s0], s1  }
0x17f: {  	s1 =	ssub.s32 @!p0 $0x0, s1;
	[sflag:s0] =	ssyncset.done @!p0 $0x0  }
0x180: {  	[sflag:s0] =	ssyncadd.s32 @!p0 s1  }
0x181: {  	[bflag:$0x3] =	sbarrier.arrive $0xFFFF  }
0x182: {  	_ =	shalt  }

</sc_bundles>
